<compile_context>
chip_gen: v7x
topology: tpu7x:2x2x1
jax: 0.10.2.dev20260603
libtpu: 0.0.44.dev20260713+nightly
codegen_flags: <defaults>
</compile_context>

<pallas_src>
import functools

import jax
import jax.numpy as jnp
from jax import lax
from jax.experimental import pallas as pl
from jax.experimental.pallas import tpu as pltpu
from jax.experimental.pallas import tpu_sc as plsc

N = 10000
NPAD = 10240
D_IN = 512
D_H = 512
D_Z = 256
H = 4
HD = H * D_H
HP = 128
E = 80000
E_SL = E + N
E_PAD = 90112
NW = 32
L = 16
NODE_PER_W = NPAD // NW
FB = 1024

_MESH = plsc.VectorSubcoreMesh(core_axis_name="c", subcore_axis_name="s")
_SC_PARAMS = pltpu.CompilerParams(needs_layout_passes=False)


def _iota16():
    return lax.iota(jnp.int32, L)



@functools.partial(jax.jit, static_argnames=("d", "bg"))
def sc_gather(table, idx, *, d, bg):
    b_per_w = E_PAD // NW
    nbatch = b_per_w // bg

    def body(table_ref, idx_ref, out_ref, idx_a, idx_b, rows_a, rows_b,
             sem_a, sem_b):
        wid = lax.axis_index("s") * 2 + lax.axis_index("c")
        base = wid * b_per_w

        def step(i, _):
            o1 = base + 2 * i * bg
            o2 = o1 + bg
            pltpu.sync_copy(idx_ref.at[pl.ds(o1, bg)], idx_a)
            cp_a = pltpu.async_copy(table_ref.at[idx_a], rows_a, sem_a)
            pltpu.sync_copy(idx_ref.at[pl.ds(o2, bg)], idx_b)
            cp_b = pltpu.async_copy(table_ref.at[idx_b], rows_b, sem_b)
            cp_a.wait()
            pltpu.sync_copy(rows_a, out_ref.at[pl.ds(o1, bg), :])
            cp_b.wait()
            pltpu.sync_copy(rows_b, out_ref.at[pl.ds(o2, bg), :])
            return 0

        lax.fori_loop(0, nbatch // 2, step, 0)

    return pl.kernel(
        body,
        out_type=jax.ShapeDtypeStruct((E_PAD, d), jnp.float32),
        mesh=_MESH,
        scratch_types=[
            pltpu.VMEM((bg,), jnp.int32),
            pltpu.VMEM((bg,), jnp.int32),
            pltpu.VMEM((bg, d), jnp.float32),
            pltpu.VMEM((bg, d), jnp.float32),
            pltpu.SemaphoreType.DMA,
            pltpu.SemaphoreType.DMA,
        ],
        compiler_params=_SC_PARAMS,
    )(table, idx)


@functools.partial(jax.jit, static_argnames=("d", "passes", "count_mode"))
def sc_gsa(row, col, table, *, d, passes, count_mode=False):
    QD = d // HP
    bw = HP // QD
    nr = NPAD // 2 // passes
    assert nr * QD == NPAD // 2 * QD // passes and nr * QD == 5120
    AR = nr * QD + 128
    zr = AR // 16
    fz = nr * QD // 16
    e_per_t = E_PAD // 16
    fb = 512
    nblocks = e_per_t // fb

    def body(row_ref, col_ref, t4_ref, aux_ref, out_ref, col_v, row_v,
             fcol, frow, fr4, idx4, fr4b, idx4b, g_v, g_b, accS, sem,
             sem_b):
        cid = lax.axis_index("c")
        sid = lax.axis_index("s")
        tbase = sid * e_per_t

        if count_mode:
            pltpu.sync_copy(aux_ref.at[pl.ds(zr, HP), :], g_v)
            pltpu.sync_copy(aux_ref.at[pl.ds(zr, HP), :], g_b)

        for p in range(passes):
            base = cid * (NPAD // 2) + p * nr

            pltpu.sync_copy(aux_ref.at[pl.ds(0, zr), :],
                            accS.at[pl.ds(sid * zr, zr), :])
            plsc.subcore_barrier()

            def fblock(blk, _):
                off = tbase + blk * fb
                pltpu.sync_copy(col_ref.at[pl.ds(off, fb)], col_v)
                if not count_mode:
                    pltpu.sync_copy(row_ref.at[pl.ds(off, fb)], row_v)

                def fstep(j, cnt):
                    c16 = plsc.load_gather(col_v, [j * L + _iota16()])
                    loc = c16 - base
                    m = (loc >= 0) & (loc < nr)
                    ranks = plsc.cumsum(jnp.where(m, 1, 0))
                    idx = cnt + ranks - 1
                    plsc.store_scatter(fcol, [idx], loc, mask=m)
                    if not count_mode:
                        r16 = plsc.load_gather(row_v, [j * L + _iota16()])
                        plsc.store_scatter(frow, [idx], r16, mask=m)
                    return cnt + jnp.max(plsc.all_reduce_population_count(m))

                cnt = lax.fori_loop(0, fb // L, fstep, 0)
                for k in range(2 * bw // L):
                    pidx = cnt + k * L + _iota16()
                    plsc.store_scatter(fcol, [pidx],
                                       jnp.full((L,), nr, jnp.int32))
                    if not count_mode:
                        plsc.store_scatter(frow, [pidx],
                                           jnp.zeros((L,), jnp.int32))

                def build(i, fr4x, idx4x):
                    for k in range(bw // L):
                        locv = plsc.load_gather(
                            fcol, [i * bw + k * L + _iota16()])
                        if not count_mode:
                            rowv = plsc.load_gather(
                                frow, [i * bw + k * L + _iota16()])
                        for q in range(QD):
                            pos = (k * L + _iota16()) * QD + q
                            plsc.store_scatter(idx4x, [pos], locv * QD + q)
                            if not count_mode:
                                plsc.store_scatter(fr4x, [pos], rowv * QD + q)

                def gpair(i, _):
                    build(2 * i, fr4, idx4)
                    if not count_mode:
                        cp_a = pltpu.async_copy(t4_ref.at[fr4], g_v, sem)
                    build(2 * i + 1, fr4b, idx4b)
                    if not count_mode:
                        cp_b = pltpu.async_copy(t4_ref.at[fr4b], g_b, sem_b)
                        cp_a.wait()
                    pltpu.sync_copy(g_v, accS.at[idx4], add=True)
                    if not count_mode:
                        cp_b.wait()
                    pltpu.sync_copy(g_b, accS.at[idx4b], add=True)
                    return 0

                nw = (cnt + bw - 1) // bw
                lax.fori_loop(0, (nw + 1) // 2, gpair, 0)
                return 0

            lax.fori_loop(0, nblocks, fblock, 0)
            plsc.subcore_barrier()
            pltpu.sync_copy(accS.at[pl.ds(sid * fz, fz), :],
                            out_ref.at[pl.ds(base * QD + sid * fz, fz), :])
            if passes > 1:
                plsc.subcore_barrier()

    aux = jnp.concatenate([jnp.zeros((zr, HP), jnp.float32),
                           jnp.ones((HP, HP), jnp.float32)])

    out4 = pl.kernel(
        body,
        out_type=jax.ShapeDtypeStruct((NPAD * QD, HP), jnp.float32),
        mesh=_MESH,
        scratch_types=[
            pltpu.VMEM((fb,), jnp.int32),
            pltpu.VMEM((fb,), jnp.int32),
            pltpu.VMEM((fb + 2 * bw,), jnp.int32),
            pltpu.VMEM((fb + 2 * bw,), jnp.int32),
            pltpu.VMEM((HP,), jnp.int32),
            pltpu.VMEM((HP,), jnp.int32),
            pltpu.VMEM((HP,), jnp.int32),
            pltpu.VMEM((HP,), jnp.int32),
            pltpu.VMEM((HP, HP), jnp.float32),
            pltpu.VMEM((HP, HP), jnp.float32),
            pltpu.VMEM_SHARED((AR, HP), jnp.float32),
            pltpu.SemaphoreType.DMA,
            pltpu.SemaphoreType.DMA,
        ],
        compiler_params=_SC_PARAMS,
    )(row, col, table.reshape(-1, HP), aux)
    return out4.reshape(NPAD, d)



BN = 1024
BE = 1024


def _mm_body(x_ref, w_ref, o_ref):
    o_ref[...] = jnp.dot(x_ref[...], w_ref[...],
                         preferred_element_type=jnp.float32)


def _mm_dis_body(x_ref, w_ref, deg_ref, o_ref):
    y = jnp.dot(x_ref[...], w_ref[...], preferred_element_type=jnp.float32)
    deg = deg_ref[:, 0:1]
    dis = jnp.where(deg > 0, lax.rsqrt(jnp.maximum(deg, 1e-30)), 0.0)
    o_ref[...] = y * dis


@jax.jit
def tc_mm(x, w):
    n, k = x.shape
    dout = w.shape[1]
    bd = min(dout, 512)
    return pl.pallas_call(
        _mm_body,
        grid=(n // BN, dout // bd),
        in_specs=[
            pl.BlockSpec((BN, k), lambda i, j: (i, 0)),
            pl.BlockSpec((k, bd), lambda i, j: (0, j)),
        ],
        out_specs=pl.BlockSpec((BN, bd), lambda i, j: (i, j)),
        out_shape=jax.ShapeDtypeStruct((n, dout), jnp.float32),
    )(x, w)


@jax.jit
def tc_mm_dis(x, w, deg):
    n, k = x.shape
    dout = w.shape[1]
    bd = min(dout, 512)
    return pl.pallas_call(
        _mm_dis_body,
        grid=(n // BN, dout // bd),
        in_specs=[
            pl.BlockSpec((BN, k), lambda i, j: (i, 0)),
            pl.BlockSpec((k, bd), lambda i, j: (0, j)),
            pl.BlockSpec((BN, HP), lambda i, j: (i, 0)),
        ],
        out_specs=pl.BlockSpec((BN, bd), lambda i, j: (i, j)),
        out_shape=jax.ShapeDtypeStruct((n, dout), jnp.float32),
    )(x, w, deg)


def _alpha_body(xl_ref, xr_ref, att_ref, o_ref):
    s = xl_ref[...] + xr_ref[...]
    s = jnp.maximum(s, 0.2 * s)
    a = jnp.dot(s, att_ref[...], preferred_element_type=jnp.float32)
    o_ref[...] = jnp.exp(a)


@jax.jit
def tc_alpha(xg_l, xg_r, attp):
    return pl.pallas_call(
        _alpha_body,
        grid=(E_PAD // BE,),
        in_specs=[
            pl.BlockSpec((BE, HD), lambda i: (i, 0)),
            pl.BlockSpec((BE, HD), lambda i: (i, 0)),
            pl.BlockSpec((HD, HP), lambda i: (0, 0)),
        ],
        out_specs=pl.BlockSpec((BE, HP), lambda i: (i, 0)),
        out_shape=jax.ShapeDtypeStruct((E_PAD, HP), jnp.float32),
    )(xg_l, xg_r, attp)


def _vcomb_body(xl_ref, al_ref, asg_ref, o_ref):
    w = al_ref[...] / (asg_ref[...] + 1e-16) * (1.0 / H)
    acc = xl_ref[:, 0:D_H] * w[:, 0:1]
    for h in range(1, H):
        acc = acc + xl_ref[:, h * D_H:(h + 1) * D_H] * w[:, h:h + 1]
    o_ref[...] = acc


@jax.jit
def tc_vcomb(xg_l, al, asg):
    return pl.pallas_call(
        _vcomb_body,
        grid=(E_PAD // BE,),
        in_specs=[
            pl.BlockSpec((BE, HD), lambda i: (i, 0)),
            pl.BlockSpec((BE, HP), lambda i: (i, 0)),
            pl.BlockSpec((BE, HP), lambda i: (i, 0)),
        ],
        out_specs=pl.BlockSpec((BE, D_H), lambda i: (i, 0)),
        out_shape=jax.ShapeDtypeStruct((E_PAD, D_H), jnp.float32),
    )(xg_l, al, asg)


def _stats_body(h_ref, o_ref):
    i = pl.program_id(0)

    @pl.when(i == 0)
    def _():
        o_ref[...] = jnp.zeros_like(o_ref)

    rows = i * BN + lax.broadcasted_iota(jnp.int32, (BN, 1), 0)
    hv = jnp.where(rows < N, h_ref[...], 0.0)
    o_ref[0:1, :] += jnp.sum(hv, axis=0, keepdims=True)
    o_ref[1:2, :] += jnp.sum(hv * hv, axis=0, keepdims=True)


@jax.jit
def tc_stats(h):
    return pl.pallas_call(
        _stats_body,
        grid=(NPAD // BN,),
        in_specs=[pl.BlockSpec((BN, D_H), lambda i: (i, 0))],
        out_specs=pl.BlockSpec((8, D_H), lambda i: (0, 0)),
        out_shape=jax.ShapeDtypeStruct((8, D_H), jnp.float32),
    )(h)


def _normsilu_body(h_ref, st_ref, g_ref, be_ref, o_ref):
    m = st_ref[0:1, :] * (1.0 / N)
    var = st_ref[1:2, :] * (1.0 / N) - m * m
    rstd = lax.rsqrt(var + 1e-5)
    xn = (h_ref[...] - m) * rstd * g_ref[...] + be_ref[...]
    o_ref[...] = xn / (1.0 + jnp.exp(-xn))


@jax.jit
def tc_normsilu(h, st, g, be):
    return pl.pallas_call(
        _normsilu_body,
        grid=(NPAD // BN,),
        in_specs=[
            pl.BlockSpec((BN, D_H), lambda i: (i, 0)),
            pl.BlockSpec((8, D_H), lambda i: (0, 0)),
            pl.BlockSpec((1, D_H), lambda i: (0, 0)),
            pl.BlockSpec((1, D_H), lambda i: (0, 0)),
        ],
        out_specs=pl.BlockSpec((BN, D_H), lambda i: (i, 0)),
        out_shape=jax.ShapeDtypeStruct((NPAD, D_H), jnp.float32),
    )(h, st, g, be)


def _comb_gcn_body(aa_ref, dega_ref, ar_ref, degr_ref, b_ref, o_ref):
    da = dega_ref[:, 0:1]
    dra = jnp.where(da > 0, lax.rsqrt(jnp.maximum(da, 1e-30)), 0.0)
    dr = degr_ref[:, 0:1]
    drr = jnp.where(dr > 0, lax.rsqrt(jnp.maximum(dr, 1e-30)), 0.0)
    o_ref[...] = aa_ref[...] * dra + ar_ref[...] * drr + b_ref[...]


@jax.jit
def tc_comb_gcn(agg_a, deg_a, agg_r, deg_r, b):
    d = agg_a.shape[1]
    return pl.pallas_call(
        _comb_gcn_body,
        grid=(NPAD // BN,),
        in_specs=[
            pl.BlockSpec((BN, d), lambda i: (i, 0)),
            pl.BlockSpec((BN, HP), lambda i: (i, 0)),
            pl.BlockSpec((BN, d), lambda i: (i, 0)),
            pl.BlockSpec((BN, HP), lambda i: (i, 0)),
            pl.BlockSpec((1, d), lambda i: (0, 0)),
        ],
        out_specs=pl.BlockSpec((BN, d), lambda i: (i, 0)),
        out_shape=jax.ShapeDtypeStruct((NPAD, d), jnp.float32),
    )(agg_a, deg_a, agg_r, deg_r, b)


def _comb_add_body(a_ref, b_ref, c_ref, o_ref):
    o_ref[...] = a_ref[...] + b_ref[...] + c_ref[...]


@jax.jit
def tc_comb_add(a, b, bias):
    d = a.shape[1]
    return pl.pallas_call(
        _comb_add_body,
        grid=(NPAD // BN,),
        in_specs=[
            pl.BlockSpec((BN, d), lambda i: (i, 0)),
            pl.BlockSpec((BN, d), lambda i: (i, 0)),
            pl.BlockSpec((1, d), lambda i: (0, 0)),
        ],
        out_specs=pl.BlockSpec((BN, d), lambda i: (i, 0)),
        out_shape=jax.ShapeDtypeStruct((NPAD, d), jnp.float32),
    )(a, b, bias)



def _attp(att):
    return (att[:, :, None] * jnp.eye(H, HP, dtype=att.dtype)[:, None, :]
            ).reshape(HD, HP)


def _gat(hn, row, col, eiota, Wl, Wr, att):
    xl = tc_mm(hn, Wl)
    xr = tc_mm(hn, Wr)
    xg_l = sc_gather(xl, row, d=HD, bg=16)
    xg_r = sc_gather(xr, col, d=HD, bg=16)
    al = tc_alpha(xg_l, xg_r, _attp(att))
    asum = sc_gsa(eiota, col, al, d=HP, passes=1)
    asg = sc_gather(asum, col, d=HP, bg=128)
    v = tc_vcomb(xg_l, al, asg)
    return sc_gsa(eiota, col, v, d=D_H, passes=4)


def kernel(x, edge_index_atac, edge_index_rna, W1_a, b1_a, W1_r, b1_r, g1, be1, Wl0_a, Wr0_a, att0_a, bo0_a, Wl0_r, Wr0_r, att0_r, bo0_r, g2, be2, Wl1_a, Wr1_a, att1_a, bo1_a, Wl1_r, Wr1_r, att1_r, bo1_r, g3, be3, Wz_a, bz_a, Wz_r, bz_r):
    i32 = jnp.int32
    loop = jnp.arange(N, dtype=i32)
    npadE = E_PAD - E_SL
    eiota = jnp.arange(E_PAD, dtype=i32)

    def prep(ei):
        row = jnp.concatenate([ei[0], loop, jnp.zeros((npadE,), i32)])
        col = jnp.concatenate([ei[1], loop, jnp.full((npadE,), NPAD - 1, i32)])
        return row, col

    row_a, col_a = prep(edge_index_atac)
    row_r, col_r = prep(edge_index_rna)

    xp = jnp.pad(x, ((0, NPAD - N), (0, 0)))

    dummy = jnp.zeros((8, HP), jnp.float32)
    deg_a = sc_gsa(eiota, col_a, dummy, d=HP, passes=1, count_mode=True)
    deg_r = sc_gsa(eiota, col_r, dummy, d=HP, passes=1, count_mode=True)

    def gcn(src, W, row, col, deg):
        y = tc_mm_dis(src, W, deg)
        d = W.shape[1]
        return sc_gsa(row, col, y, d=d, passes=4 if d > 256 else 2)

    agg_a = gcn(xp, W1_a, row_a, col_a, deg_a)
    agg_r = gcn(xp, W1_r, row_r, col_r, deg_r)
    h = tc_comb_gcn(agg_a, deg_a, agg_r, deg_r, (b1_a + b1_r).reshape(1, -1))
    h = tc_normsilu(h, tc_stats(h), g1.reshape(1, -1), be1.reshape(1, -1))

    for (Wl_a, Wr_a, att_a, bo_a, Wl_r, Wr_r, att_r, bo_r, g, be) in (
        (Wl0_a, Wr0_a, att0_a, bo0_a, Wl0_r, Wr0_r, att0_r, bo0_r, g2, be2),
        (Wl1_a, Wr1_a, att1_a, bo1_a, Wl1_r, Wr1_r, att1_r, bo1_r, g3, be3),
    ):
        ga = _gat(h, row_a, col_a, eiota, Wl_a, Wr_a, att_a)
        gr = _gat(h, row_r, col_r, eiota, Wl_r, Wr_r, att_r)
        h = tc_comb_add(ga, gr, (bo_a + bo_r).reshape(1, -1))
        h = tc_normsilu(h, tc_stats(h), g.reshape(1, -1), be.reshape(1, -1))

    za = gcn(h, Wz_a, row_a, col_a, deg_a)
    zr = gcn(h, Wz_r, row_r, col_r, deg_r)
    z = tc_comb_gcn(za, deg_a, zr, deg_r, (bz_a + bz_r).reshape(1, -1))
    return z[:N]

# --- scband reference (transcript-rebuilt; emitter-appended) ---
"""Pipeline reference for scband-hetero-graph-ae-17171279250039 (READ-ONLY COPY).

The authoritative reference and input builder live on the scoring server;
editing this copy changes nothing except your own understanding.
"""

import jax, jax.numpy as jnp
import numpy as np

N = 10000
E = 80000
D_IN = 512
D_H = 512
D_Z = 256
H = 4

def _gcn(x, ei, W, b):
    loop = jnp.arange(N, dtype=ei.dtype)
    row = jnp.concatenate([ei[0], loop])
    col = jnp.concatenate([ei[1], loop])
    deg = jnp.zeros((N,), x.dtype).at[col].add(1.0)
    dis = jnp.where(deg > 0, 1.0 / jnp.sqrt(deg), 0.0)
    norm = dis[row] * dis[col]
    xw = x @ W
    out = jnp.zeros((N, W.shape[1]), x.dtype).at[col].add(xw[row] * norm[:, None])
    return out + b

def _gatv2(x, ei, Wl, Wr, att, b):
    loop = jnp.arange(N, dtype=ei.dtype)
    row = jnp.concatenate([ei[0], loop])
    col = jnp.concatenate([ei[1], loop])
    C = Wl.shape[1] // H
    xl = (x @ Wl).reshape(N, H, C)
    xr = (x @ Wr).reshape(N, H, C)
    e = jax.nn.leaky_relu(xl[row] + xr[col], 0.2)
    alpha = jnp.sum(e * att[None], axis=-1)
    amax = jax.lax.stop_gradient(jax.ops.segment_max(alpha, col, num_segments=N))
    al = jnp.exp(alpha - amax[col])
    asum = jax.ops.segment_sum(al, col, num_segments=N)
    al = al / (asum[col] + 1e-16)
    out = jax.ops.segment_sum(xl[row] * al[..., None], col, num_segments=N)
    return out.mean(axis=1) + b

def _bn(x, g, b):
    m = x.mean(0)
    v = x.var(0)
    return (x - m) / jnp.sqrt(v + 1e-5) * g + b

def setup_inputs(seed: int = 0):
    key = jax.random.key(seed)
    ks = jax.random.split(key, 64)
    it = iter(range(64))
    def nrm(shape, fan):
        return jax.random.normal(ks[next(it)], shape, dtype=jnp.float32) / float(np.sqrt(fan))
    inp = {}
    inp['x'] = jax.random.normal(ks[next(it)], (N, D_IN), dtype=jnp.float32)
    inp['edge_index_atac'] = jax.random.randint(ks[next(it)], (2, E), 0, N, dtype=jnp.int32)
    inp['edge_index_rna'] = jax.random.randint(ks[next(it)], (2, E), 0, N, dtype=jnp.int32)
    for m in ('a', 'r'):
        inp['W1_' + m] = nrm((D_IN, D_H), D_IN)
        inp['b1_' + m] = jnp.zeros((D_H,), jnp.float32)
    inp['g1'] = jnp.ones((D_H,), jnp.float32)
    inp['be1'] = jnp.zeros((D_H,), jnp.float32)
    for l in range(2):
        for m in ('a', 'r'):
            inp['Wl%d_%s' % (l, m)] = nrm((D_H, H * D_H), D_H)
            inp['Wr%d_%s' % (l, m)] = nrm((D_H, H * D_H), D_H)
            inp['att%d_%s' % (l, m)] = nrm((H, D_H), D_H)
            inp['bo%d_%s' % (l, m)] = jnp.zeros((D_H,), jnp.float32)
        inp['g%d' % (l + 2)] = jnp.ones((D_H,), jnp.float32)
        inp['be%d' % (l + 2)] = jnp.zeros((D_H,), jnp.float32)
    for m in ('a', 'r'):
        inp['Wz_' + m] = nrm((D_H, D_Z), D_H)
        inp['bz_' + m] = jnp.zeros((D_Z,), jnp.float32)
    return inp

def reference(x, edge_index_atac, edge_index_rna, W1_a, b1_a, W1_r, b1_r, g1, be1, Wl0_a, Wr0_a, att0_a, bo0_a, Wl0_r, Wr0_r, att0_r, bo0_r, g2, be2, Wl1_a, Wr1_a, att1_a, bo1_a, Wl1_r, Wr1_r, att1_r, bo1_r, g3, be3, Wz_a, bz_a, Wz_r, bz_r):
    ea, er = edge_index_atac, edge_index_rna
    h = _gcn(x, ea, W1_a, b1_a) + _gcn(x, er, W1_r, b1_r)
    h = jax.nn.silu(_bn(h, g1, be1))
    h = _gatv2(h, ea, Wl0_a, Wr0_a, att0_a, bo0_a) + _gatv2(h, er, Wl0_r, Wr0_r, att0_r, bo0_r)
    h = jax.nn.silu(_bn(h, g2, be2))
    h = _gatv2(h, ea, Wl1_a, Wr1_a, att1_a, bo1_a) + _gatv2(h, er, Wl1_r, Wr1_r, att1_r, bo1_r)
    h = jax.nn.silu(_bn(h, g3, be3))
    z = _gcn(h, ea, Wz_a, bz_a) + _gcn(h, er, Wz_r, bz_r)
    return z

if __name__ == "__main__":
    import jax
    _d = setup_inputs()
    print(jax.jit(kernel)(*tuple(_d.values())))

</pallas_src>

<mosaic_0001>
#map = affine_map<(d0, d1) -> (0)>
#map1 = affine_map<(d0, d1) -> (0, 0)>
module attributes {stable_mosaic.version = 14 : i64} {
  func.func @body(%arg0: i32, %arg1: i32, %arg2: memref<90112xi32, #tpu.memory_space<hbm>>, %arg3: memref<90112xi32, #tpu.memory_space<hbm>>, %arg4: memref<8x128xf32, #tpu.memory_space<hbm>>, %arg5: memref<456x128xf32, #tpu.memory_space<hbm>>, %arg6: memref<10240x128xf32, #tpu.memory_space<hbm>>, %arg7: memref<512xi32, #tpu.memory_space<vmem>>, %arg8: memref<512xi32, #tpu.memory_space<vmem>>, %arg9: memref<768xi32, #tpu.memory_space<vmem>>, %arg10: memref<768xi32, #tpu.memory_space<vmem>>, %arg11: memref<128xi32, #tpu.memory_space<vmem>>, %arg12: memref<128xi32, #tpu.memory_space<vmem>>, %arg13: memref<128xi32, #tpu.memory_space<vmem>>, %arg14: memref<128xi32, #tpu.memory_space<vmem>>, %arg15: memref<128x128xf32, #tpu.memory_space<vmem>>, %arg16: memref<128x128xf32, #tpu.memory_space<vmem>>, %arg17: memref<5248x128xf32, #tpu.memory_space<vmem_shared>>, %arg18: memref<!tpu.dma_semaphore, #tpu.memory_space<semaphore_mem>>, %arg19: memref<!tpu.dma_semaphore, #tpu.memory_space<semaphore_mem>>) attributes {dimension_semantics = [#tpu.dimension_semantics<core_parallel>, #tpu.dimension_semantics<subcore_parallel>], iteration_bounds = array<i64: 2, 16>, scalar_prefetch = 0 : i64, scratch_operands = 13 : i64, tpu.core_type = #tpu.core_type<sc_vector_subcore>, window_params = [{transform_indices = #map}, {transform_indices = #map}, {transform_indices = #map1}, {transform_indices = #map1}, {transform_indices = #map1}]} {
    %mul3A = arith.constant 5632 : i32
    %mul3A_0 = arith.muli %arg1, %mul3A : i32
    "tpu.region"() ({
      %run_scoped3A = tpu.sem_alloc : memref<!tpu.dma_semaphore, #tpu.memory_space<semaphore_mem>>
      %dma_start3A = arith.constant 328 : i32
      %dma_start3A_20 = arith.constant 0 : i32
      %dma_start3A_21 = tpu.memref_slice %arg5[%dma_start3A, %dma_start3A_20] : memref<456x128xf32, #tpu.memory_space<hbm>> -> memref<128x128xf32, #tpu.memory_space<hbm>>
      %dma_start3A_22 = arith.constant 328 : i32
      %dma_start3A_23 = arith.constant 0 : i32
      %dma_start3A_24 = tpu.memref_slice %arg5[%dma_start3A_22, %dma_start3A_23] : memref<456x128xf32, #tpu.memory_space<hbm>> -> memref<128x128xf32, #tpu.memory_space<hbm>>
      tpu.enqueue_dma source(%dma_start3A_24 : memref<128x128xf32, #tpu.memory_space<hbm>>) target(%arg15 : memref<128x128xf32, #tpu.memory_space<vmem>>) target_semaphore(%run_scoped3A : memref<!tpu.dma_semaphore, #tpu.memory_space<semaphore_mem>>)
      %dma_wait3A = arith.constant 328 : i32
      %dma_wait3A_25 = arith.constant 0 : i32
      %dma_wait3A_26 = tpu.memref_slice %arg5[%dma_wait3A, %dma_wait3A_25] : memref<456x128xf32, #tpu.memory_space<hbm>> -> memref<128x128xf32, #tpu.memory_space<hbm>>
      %dma_wait3A_27 = arith.constant 328 : i32
      %dma_wait3A_28 = arith.constant 0 : i32
      %dma_wait3A_29 = tpu.memref_slice %arg5[%dma_wait3A_27, %dma_wait3A_28] : memref<456x128xf32, #tpu.memory_space<hbm>> -> memref<128x128xf32, #tpu.memory_space<hbm>>
      tpu.wait_dma2 semaphore(%run_scoped3A : memref<!tpu.dma_semaphore, #tpu.memory_space<semaphore_mem>>) src(%dma_wait3A_29 : memref<128x128xf32, #tpu.memory_space<hbm>>) dst(%arg15 : memref<128x128xf32, #tpu.memory_space<vmem>>)
      tpu.yield
    }) : () -> ()
    "tpu.region"() ({
      %run_scoped3A = tpu.sem_alloc : memref<!tpu.dma_semaphore, #tpu.memory_space<semaphore_mem>>
      %dma_start3A = arith.constant 328 : i32
      %dma_start3A_20 = arith.constant 0 : i32
      %dma_start3A_21 = tpu.memref_slice %arg5[%dma_start3A, %dma_start3A_20] : memref<456x128xf32, #tpu.memory_space<hbm>> -> memref<128x128xf32, #tpu.memory_space<hbm>>
      %dma_start3A_22 = arith.constant 328 : i32
      %dma_start3A_23 = arith.constant 0 : i32
      %dma_start3A_24 = tpu.memref_slice %arg5[%dma_start3A_22, %dma_start3A_23] : memref<456x128xf32, #tpu.memory_space<hbm>> -> memref<128x128xf32, #tpu.memory_space<hbm>>
      tpu.enqueue_dma source(%dma_start3A_24 : memref<128x128xf32, #tpu.memory_space<hbm>>) target(%arg16 : memref<128x128xf32, #tpu.memory_space<vmem>>) target_semaphore(%run_scoped3A : memref<!tpu.dma_semaphore, #tpu.memory_space<semaphore_mem>>)
      %dma_wait3A = arith.constant 328 : i32
      %dma_wait3A_25 = arith.constant 0 : i32
      %dma_wait3A_26 = tpu.memref_slice %arg5[%dma_wait3A, %dma_wait3A_25] : memref<456x128xf32, #tpu.memory_space<hbm>> -> memref<128x128xf32, #tpu.memory_space<hbm>>
      %dma_wait3A_27 = arith.constant 328 : i32
      %dma_wait3A_28 = arith.constant 0 : i32
      %dma_wait3A_29 = tpu.memref_slice %arg5[%dma_wait3A_27, %dma_wait3A_28] : memref<456x128xf32, #tpu.memory_space<hbm>> -> memref<128x128xf32, #tpu.memory_space<hbm>>
      tpu.wait_dma2 semaphore(%run_scoped3A : memref<!tpu.dma_semaphore, #tpu.memory_space<semaphore_mem>>) src(%dma_wait3A_29 : memref<128x128xf32, #tpu.memory_space<hbm>>) dst(%arg16 : memref<128x128xf32, #tpu.memory_space<vmem>>)
      tpu.yield
    }) : () -> ()
    %mul3A_1 = arith.constant 5120 : i32
    %mul3A_2 = arith.muli %arg0, %mul3A_1 : i32
    %add3A = arith.constant 0 : i32
    %add3A_3 = arith.addi %mul3A_2, %add3A : i32
    %mul3A_4 = arith.constant 328 : i32
    %mul3A_5 = arith.muli %arg1, %mul3A_4 : i32
    "tpu.region"() ({
      %run_scoped3A = tpu.sem_alloc : memref<!tpu.dma_semaphore, #tpu.memory_space<semaphore_mem>>
      %dma_start3A = arith.constant 0 : i32
      %dma_start3A_20 = tpu.memref_slice %arg17[%mul3A_5, %dma_start3A] : memref<5248x128xf32, #tpu.memory_space<vmem_shared>> -> memref<328x128xf32, #tpu.memory_space<vmem_shared>>
      %dma_start3A_21 = arith.constant 0 : i32
      %dma_start3A_22 = arith.constant 0 : i32
      %dma_start3A_23 = tpu.memref_slice %arg5[%dma_start3A_21, %dma_start3A_22] : memref<456x128xf32, #tpu.memory_space<hbm>> -> memref<328x128xf32, #tpu.memory_space<hbm>>
      tpu.enqueue_dma source(%dma_start3A_23 : memref<328x128xf32, #tpu.memory_space<hbm>>) target(%dma_start3A_20 : memref<328x128xf32, #tpu.memory_space<vmem_shared>>) target_semaphore(%run_scoped3A : memref<!tpu.dma_semaphore, #tpu.memory_space<semaphore_mem>>)
      %dma_wait3A = arith.constant 0 : i32
      %dma_wait3A_24 = tpu.memref_slice %arg17[%mul3A_5, %dma_wait3A] : memref<5248x128xf32, #tpu.memory_space<vmem_shared>> -> memref<328x128xf32, #tpu.memory_space<vmem_shared>>
      %dma_wait3A_25 = arith.constant 0 : i32
      %dma_wait3A_26 = arith.constant 0 : i32
      %dma_wait3A_27 = tpu.memref_slice %arg5[%dma_wait3A_25, %dma_wait3A_26] : memref<456x128xf32, #tpu.memory_space<hbm>> -> memref<328x128xf32, #tpu.memory_space<hbm>>
      tpu.wait_dma2 semaphore(%run_scoped3A : memref<!tpu.dma_semaphore, #tpu.memory_space<semaphore_mem>>) src(%dma_wait3A_27 : memref<328x128xf32, #tpu.memory_space<hbm>>) dst(%dma_wait3A_24 : memref<328x128xf32, #tpu.memory_space<vmem_shared>>)
      tpu.yield
    }) : () -> ()
    %barrier3A = arith.constant 0 : index
    tpu.barrier barrier_id(%barrier3A)
    %scan3A = arith.constant 0 : i32
    %scan3A_6 = arith.constant 0 : i32
    %scan3A_7 = arith.constant 11 : i32
    %scan3A_8 = arith.addi %scan3A_6, %scan3A_7 : i32
    %scan3A_9 = arith.constant 1 : i32
    %scan3A_10 = scf.for %scan3A_20 = %scan3A_6 to %scan3A_8 step %scan3A_9 iter_args(%scan3A_21 = %scan3A) -> (i32)  : i32 {
      %mul3A_22 = arith.constant 512 : i32
      %mul3A_23 = arith.muli %scan3A_20, %mul3A_22 : i32
      %add3A_24 = arith.addi %mul3A_0, %mul3A_23 : i32
      "tpu.region"() ({
        %run_scoped3A = tpu.sem_alloc : memref<!tpu.dma_semaphore, #tpu.memory_space<semaphore_mem>>
        %dma_start3A = tpu.memref_slice %arg3[%add3A_24] : memref<90112xi32, #tpu.memory_space<hbm>> -> memref<512xi32, #tpu.memory_space<hbm>>
        %dma_start3A_200 = tpu.memref_slice %arg3[%add3A_24] : memref<90112xi32, #tpu.memory_space<hbm>> -> memref<512xi32, #tpu.memory_space<hbm>>
        tpu.enqueue_dma source(%dma_start3A_200 : memref<512xi32, #tpu.memory_space<hbm>>) target(%arg7 : memref<512xi32, #tpu.memory_space<vmem>>) target_semaphore(%run_scoped3A : memref<!tpu.dma_semaphore, #tpu.memory_space<semaphore_mem>>)
        %dma_wait3A = tpu.memref_slice %arg3[%add3A_24] : memref<90112xi32, #tpu.memory_space<hbm>> -> memref<512xi32, #tpu.memory_space<hbm>>
        %dma_wait3A_201 = tpu.memref_slice %arg3[%add3A_24] : memref<90112xi32, #tpu.memory_space<hbm>> -> memref<512xi32, #tpu.memory_space<hbm>>
        tpu.wait_dma2 semaphore(%run_scoped3A : memref<!tpu.dma_semaphore, #tpu.memory_space<semaphore_mem>>) src(%dma_wait3A_201 : memref<512xi32, #tpu.memory_space<hbm>>) dst(%arg7 : memref<512xi32, #tpu.memory_space<vmem>>)
        tpu.yield
      }) : () -> ()
      %scan3A_25 = arith.constant 0 : i32
      %scan3A_26 = arith.constant 0 : i32
      %scan3A_27 = arith.constant 32 : i32
      %scan3A_28 = arith.addi %scan3A_26, %scan3A_27 : i32
      %scan3A_29 = arith.constant 1 : i32
      %scan3A_30 = scf.for %scan3A_200 = %scan3A_26 to %scan3A_28 step %scan3A_29 iter_args(%scan3A_201 = %scan3A_25) -> (i32)  : i32 {
        %mul3A_202 = arith.constant 16 : i32
        %mul3A_203 = arith.muli %scan3A_200, %mul3A_202 : i32
        %iota3A_204 = tpu.iota {dimensions = array<i32: 0>} : vector<16xi32>
        %add3A_205 = vector.broadcast %mul3A_203 : i32 to vector<16xi32>
        %add3A_206 = arith.addi %add3A_205, %iota3A_204 : vector<16xi32>
        %gather3A = tpu.vector_load_idx %arg7[%add3A_206] : memref<512xi32, #tpu.memory_space<vmem>>[vector<16xi32>], vector<16xi32>,
        %sub3A_207 = vector.broadcast %add3A_3 : i32 to vector<16xi32>
        %sub3A_208 = arith.subi %gather3A, %sub3A_207 : vector<16xi32>
        %ge3A = arith.constant 0 : i32
        %ge3A_209 = vector.broadcast %ge3A : i32 to vector<16xi32>
        %ge3A_210 = arith.cmpi sge, %sub3A_208, %ge3A_209 : vector<16xi32>
        %lt3A = arith.constant 5120 : i32
        %lt3A_211 = vector.broadcast %lt3A : i32 to vector<16xi32>
        %lt3A_212 = arith.cmpi slt, %sub3A_208, %lt3A_211 : vector<16xi32>
        %and3A_213 = arith.andi %ge3A_210, %lt3A_212 : vector<16xi1>
        %jit3A_214 = arith.constant 1 : i32
        %jit3A_215 = arith.constant 0 : i32
        %broadcast_in_dim3A_216 = vector.broadcast %jit3A_214 : i32 to vector<16xi32>
        %broadcast_in_dim3A_217 = vector.broadcast %jit3A_215 : i32 to vector<16xi32>
        %select_n3A_218 = arith.select %and3A_213, %broadcast_in_dim3A_216, %broadcast_in_dim3A_217 : vector<16xi1>, vector<16xi32>
        %broadcast_in_dim3A_219 = arith.constant true
        %broadcast_in_dim3A_220 = vector.broadcast %broadcast_in_dim3A_219 : i1 to vector<16xi1>
        %masked_cumsum3A = tpu.scan <sum>, %select_n3A_218 masked %broadcast_in_dim3A_220 : vector<16xi32>, vector<16xi1> -> vector<16xi32>
        %add3A_221 = vector.broadcast %scan3A_201 : i32 to vector<16xi32>
        %add3A_222 = arith.addi %add3A_221, %masked_cumsum3A : vector<16xi32>
        %sub3A_223 = arith.constant 1 : i32
        %sub3A_224 = vector.broadcast %sub3A_223 : i32 to vector<16xi32>
        %sub3A_225 = arith.subi %add3A_222, %sub3A_224 : vector<16xi32>
        tpu.vector_store_idx %arg9[%sub3A_225], %sub3A_208 masked %and3A_213 : memref<768xi32, #tpu.memory_space<vmem>>[vector<16xi32>], vector<16xi32>, vector<16xi1>
        %all_reduce_population_count3A = tpu.all_reduce %and3A_213 {dim = 0 : i64, kind = #tpu.reduction_kind<sum>} : vector<16xi1> -> vector<16xi32>
        %reduce_max3A = arith.constant true
        %reduce_max3A_226 = vector.broadcast %reduce_max3A : i1 to vector<16xi1>
        %reduce_max3A_227 = arith.constant -2147483648 : i32
        %reduce_max3A_228 = vector.broadcast %reduce_max3A_227 : i32 to vector<16xi32>
        %reduce_max3A_229 = arith.xori %all_reduce_population_count3A, %reduce_max3A_228 : vector<16xi32>
        %reduce_max3A_230 = tpu.scan <max>, %reduce_max3A_229 masked %reduce_max3A_226 : vector<16xi32>, vector<16xi1> -> vector<16xi32>
        %reduce_max3A_231 = arith.xori %reduce_max3A_230, %reduce_max3A_228 : vector<16xi32>
        %reduce_max3A_232 = vector.extract %reduce_max3A_231[15] : i32 from vector<16xi32>
        %add3A_233 = arith.addi %scan3A_201, %reduce_max3A_232 : i32
        scf.yield %add3A_233 : i32
      }
      %scan3A_31 = arith.constant 32 : i32
      %add3A_32 = arith.constant 0 : i32
      %add3A_33 = arith.addi %scan3A_30, %add3A_32 : i32
      %iota3A = tpu.iota {dimensions = array<i32: 0>} : vector<16xi32>
      %add3A_34 = vector.broadcast %add3A_33 : i32 to vector<16xi32>
      %add3A_35 = arith.addi %add3A_34, %iota3A : vector<16xi32>
      %broadcast_in_dim3A = arith.constant 5120 : i32
      %broadcast_in_dim3A_36 = vector.broadcast %broadcast_in_dim3A : i32 to vector<16xi32>
      tpu.vector_store_idx %arg9[%add3A_35], %broadcast_in_dim3A_36 : memref<768xi32, #tpu.memory_space<vmem>>[vector<16xi32>], vector<16xi32>,
      %add3A_37 = arith.constant 16 : i32
      %add3A_38 = arith.addi %scan3A_30, %add3A_37 : i32
      %iota3A_39 = tpu.iota {dimensions = array<i32: 0>} : vector<16xi32>
      %add3A_40 = vector.broadcast %add3A_38 : i32 to vector<16xi32>
      %add3A_41 = arith.addi %add3A_40, %iota3A_39 : vector<16xi32>
      %broadcast_in_dim3A_42 = arith.constant 5120 : i32
      %broadcast_in_dim3A_43 = vector.broadcast %broadcast_in_dim3A_42 : i32 to vector<16xi32>
      tpu.vector_store_idx %arg9[%add3A_41], %broadcast_in_dim3A_43 : memref<768xi32, #tpu.memory_space<vmem>>[vector<16xi32>], vector<16xi32>,
      %add3A_44 = arith.constant 32 : i32
      %add3A_45 = arith.addi %scan3A_30, %add3A_44 : i32
      %iota3A_46 = tpu.iota {dimensions = array<i32: 0>} : vector<16xi32>
      %add3A_47 = vector.broadcast %add3A_45 : i32 to vector<16xi32>
      %add3A_48 = arith.addi %add3A_47, %iota3A_46 : vector<16xi32>
      %broadcast_in_dim3A_49 = arith.constant 5120 : i32
      %broadcast_in_dim3A_50 = vector.broadcast %broadcast_in_dim3A_49 : i32 to vector<16xi32>
      tpu.vector_store_idx %arg9[%add3A_48], %broadcast_in_dim3A_50 : memref<768xi32, #tpu.memory_space<vmem>>[vector<16xi32>], vector<16xi32>,
      %add3A_51 = arith.constant 48 : i32
      %add3A_52 = arith.addi %scan3A_30, %add3A_51 : i32
      %iota3A_53 = tpu.iota {dimensions = array<i32: 0>} : vector<16xi32>
      %add3A_54 = vector.broadcast %add3A_52 : i32 to vector<16xi32>
      %add3A_55 = arith.addi %add3A_54, %iota3A_53 : vector<16xi32>
      %broadcast_in_dim3A_56 = arith.constant 5120 : i32
      %broadcast_in_dim3A_57 = vector.broadcast %broadcast_in_dim3A_56 : i32 to vector<16xi32>
      tpu.vector_store_idx %arg9[%add3A_55], %broadcast_in_dim3A_57 : memref<768xi32, #tpu.memory_space<vmem>>[vector<16xi32>], vector<16xi32>,
      %add3A_58 = arith.constant 64 : i32
      %add3A_59 = arith.addi %scan3A_30, %add3A_58 : i32
      %iota3A_60 = tpu.iota {dimensions = array<i32: 0>} : vector<16xi32>
      %add3A_61 = vector.broadcast %add3A_59 : i32 to vector<16xi32>
      %add3A_62 = arith.addi %add3A_61, %iota3A_60 : vector<16xi32>
      %broadcast_in_dim3A_63 = arith.constant 5120 : i32
      %broadcast_in_dim3A_64 = vector.broadcast %broadcast_in_dim3A_63 : i32 to vector<16xi32>
      tpu.vector_store_idx %arg9[%add3A_62], %broadcast_in_dim3A_64 : memref<768xi32, #tpu.memory_space<vmem>>[vector<16xi32>], vector<16xi32>,
      %add3A_65 = arith.constant 80 : i32
      %add3A_66 = arith.addi %scan3A_30, %add3A_65 : i32
      %iota3A_67 = tpu.iota {dimensions = array<i32: 0>} : vector<16xi32>
      %add3A_68 = vector.broadcast %add3A_66 : i32 to vector<16xi32>
      %add3A_69 = arith.addi %add3A_68, %iota3A_67 : vector<16xi32>
      %broadcast_in_dim3A_70 = arith.constant 5120 : i32
      %broadcast_in_dim3A_71 = vector.broadcast %broadcast_in_dim3A_70 : i32 to vector<16xi32>
      tpu.vector_store_idx %arg9[%add3A_69], %broadcast_in_dim3A_71 : memref<768xi32, #tpu.memory_space<vmem>>[vector<16xi32>], vector<16xi32>,
      %add3A_72 = arith.constant 96 : i32
      %add3A_73 = arith.addi %scan3A_30, %add3A_72 : i32
      %iota3A_74 = tpu.iota {dimensions = array<i32: 0>} : vector<16xi32>
      %add3A_75 = vector.broadcast %add3A_73 : i32 to vector<16xi32>
      %add3A_76 = arith.addi %add3A_75, %iota3A_74 : vector<16xi32>
      %broadcast_in_dim3A_77 = arith.constant 5120 : i32
      %broadcast_in_dim3A_78 = vector.broadcast %broadcast_in_dim3A_77 : i32 to vector<16xi32>
      tpu.vector_store_idx %arg9[%add3A_76], %broadcast_in_dim3A_78 : memref<768xi32, #tpu.memory_space<vmem>>[vector<16xi32>], vector<16xi32>,
      %add3A_79 = arith.constant 112 : i32
      %add3A_80 = arith.addi %scan3A_30, %add3A_79 : i32
      %iota3A_81 = tpu.iota {dimensions = array<i32: 0>} : vector<16xi32>
      %add3A_82 = vector.broadcast %add3A_80 : i32 to vector<16xi32>
      %add3A_83 = arith.addi %add3A_82, %iota3A_81 : vector<16xi32>
      %broadcast_in_dim3A_84 = arith.constant 5120 : i32
      %broadcast_in_dim3A_85 = vector.broadcast %broadcast_in_dim3A_84 : i32 to vector<16xi32>
      tpu.vector_store_idx %arg9[%add3A_83], %broadcast_in_dim3A_85 : memref<768xi32, #tpu.memory_space<vmem>>[vector<16xi32>], vector<16xi32>,
      %add3A_86 = arith.constant 128 : i32
      %add3A_87 = arith.addi %scan3A_30, %add3A_86 : i32
      %iota3A_88 = tpu.iota {dimensions = array<i32: 0>} : vector<16xi32>
      %add3A_89 = vector.broadcast %add3A_87 : i32 to vector<16xi32>
      %add3A_90 = arith.addi %add3A_89, %iota3A_88 : vector<16xi32>
      %broadcast_in_dim3A_91 = arith.constant 5120 : i32
      %broadcast_in_dim3A_92 = vector.broadcast %broadcast_in_dim3A_91 : i32 to vector<16xi32>
      tpu.vector_store_idx %arg9[%add3A_90], %broadcast_in_dim3A_92 : memref<768xi32, #tpu.memory_space<vmem>>[vector<16xi32>], vector<16xi32>,
      %add3A_93 = arith.constant 144 : i32
      %add3A_94 = arith.addi %scan3A_30, %add3A_93 : i32
      %iota3A_95 = tpu.iota {dimensions = array<i32: 0>} : vector<16xi32>
      %add3A_96 = vector.broadcast %add3A_94 : i32 to vector<16xi32>
      %add3A_97 = arith.addi %add3A_96, %iota3A_95 : vector<16xi32>
      %broadcast_in_dim3A_98 = arith.constant 5120 : i32
      %broadcast_in_dim3A_99 = vector.broadcast %broadcast_in_dim3A_98 : i32 to vector<16xi32>
      tpu.vector_store_idx %arg9[%add3A_97], %broadcast_in_dim3A_99 : memref<768xi32, #tpu.memory_space<vmem>>[vector<16xi32>], vector<16xi32>,
      %add3A_100 = arith.constant 160 : i32
      %add3A_101 = arith.addi %scan3A_30, %add3A_100 : i32
      %iota3A_102 = tpu.iota {dimensions = array<i32: 0>} : vector<16xi32>
      %add3A_103 = vector.broadcast %add3A_101 : i32 to vector<16xi32>
      %add3A_104 = arith.addi %add3A_103, %iota3A_102 : vector<16xi32>
      %broadcast_in_dim3A_105 = arith.constant 5120 : i32
      %broadcast_in_dim3A_106 = vector.broadcast %broadcast_in_dim3A_105 : i32 to vector<16xi32>
      tpu.vector_store_idx %arg9[%add3A_104], %broadcast_in_dim3A_106 : memref<768xi32, #tpu.memory_space<vmem>>[vector<16xi32>], vector<16xi32>,
      %add3A_107 = arith.constant 176 : i32
      %add3A_108 = arith.addi %scan3A_30, %add3A_107 : i32
      %iota3A_109 = tpu.iota {dimensions = array<i32: 0>} : vector<16xi32>
      %add3A_110 = vector.broadcast %add3A_108 : i32 to vector<16xi32>
      %add3A_111 = arith.addi %add3A_110, %iota3A_109 : vector<16xi32>
      %broadcast_in_dim3A_112 = arith.constant 5120 : i32
      %broadcast_in_dim3A_113 = vector.broadcast %broadcast_in_dim3A_112 : i32 to vector<16xi32>
      tpu.vector_store_idx %arg9[%add3A_111], %broadcast_in_dim3A_113 : memref<768xi32, #tpu.memory_space<vmem>>[vector<16xi32>], vector<16xi32>,
      %add3A_114 = arith.constant 192 : i32
      %add3A_115 = arith.addi %scan3A_30, %add3A_114 : i32
      %iota3A_116 = tpu.iota {dimensions = array<i32: 0>} : vector<16xi32>
      %add3A_117 = vector.broadcast %add3A_115 : i32 to vector<16xi32>
      %add3A_118 = arith.addi %add3A_117, %iota3A_116 : vector<16xi32>
      %broadcast_in_dim3A_119 = arith.constant 5120 : i32
      %broadcast_in_dim3A_120 = vector.broadcast %broadcast_in_dim3A_119 : i32 to vector<16xi32>
      tpu.vector_store_idx %arg9[%add3A_118], %broadcast_in_dim3A_120 : memref<768xi32, #tpu.memory_space<vmem>>[vector<16xi32>], vector<16xi32>,
      %add3A_121 = arith.constant 208 : i32
      %add3A_122 = arith.addi %scan3A_30, %add3A_121 : i32
      %iota3A_123 = tpu.iota {dimensions = array<i32: 0>} : vector<16xi32>
      %add3A_124 = vector.broadcast %add3A_122 : i32 to vector<16xi32>
      %add3A_125 = arith.addi %add3A_124, %iota3A_123 : vector<16xi32>
      %broadcast_in_dim3A_126 = arith.constant 5120 : i32
      %broadcast_in_dim3A_127 = vector.broadcast %broadcast_in_dim3A_126 : i32 to vector<16xi32>
      tpu.vector_store_idx %arg9[%add3A_125], %broadcast_in_dim3A_127 : memref<768xi32, #tpu.memory_space<vmem>>[vector<16xi32>], vector<16xi32>,
      %add3A_128 = arith.constant 224 : i32
      %add3A_129 = arith.addi %scan3A_30, %add3A_128 : i32
      %iota3A_130 = tpu.iota {dimensions = array<i32: 0>} : vector<16xi32>
      %add3A_131 = vector.broadcast %add3A_129 : i32 to vector<16xi32>
      %add3A_132 = arith.addi %add3A_131, %iota3A_130 : vector<16xi32>
      %broadcast_in_dim3A_133 = arith.constant 5120 : i32
      %broadcast_in_dim3A_134 = vector.broadcast %broadcast_in_dim3A_133 : i32 to vector<16xi32>
      tpu.vector_store_idx %arg9[%add3A_132], %broadcast_in_dim3A_134 : memref<768xi32, #tpu.memory_space<vmem>>[vector<16xi32>], vector<16xi32>,
      %add3A_135 = arith.constant 240 : i32
      %add3A_136 = arith.addi %scan3A_30, %add3A_135 : i32
      %iota3A_137 = tpu.iota {dimensions = array<i32: 0>} : vector<16xi32>
      %add3A_138 = vector.broadcast %add3A_136 : i32 to vector<16xi32>
      %add3A_139 = arith.addi %add3A_138, %iota3A_137 : vector<16xi32>
      %broadcast_in_dim3A_140 = arith.constant 5120 : i32
      %broadcast_in_dim3A_141 = vector.broadcast %broadcast_in_dim3A_140 : i32 to vector<16xi32>
      tpu.vector_store_idx %arg9[%add3A_139], %broadcast_in_dim3A_141 : memref<768xi32, #tpu.memory_space<vmem>>[vector<16xi32>], vector<16xi32>,
      %add3A_142 = arith.constant 128 : i32
      %add3A_143 = arith.addi %scan3A_30, %add3A_142 : i32
      %sub3A = arith.constant 1 : i32
      %sub3A_144 = arith.subi %add3A_143, %sub3A : i32
      %jit3A = arith.constant 128 : i32
      %div3A = arith.divsi %sub3A_144, %jit3A : i32
      %sign3A = arith.constant 0 : i32
      %sign3A_145 = arith.cmpi sgt, %sub3A_144, %sign3A : i32
      %sign3A_146 = arith.extui %sign3A_145 : i1 to i32
      %sign3A_147 = arith.constant 0 : i32
      %sign3A_148 = arith.cmpi slt, %sub3A_144, %sign3A_147 : i32
      %sign3A_149 = arith.extui %sign3A_148 : i1 to i32
      %sign3A_150 = arith.subi %sign3A_146, %sign3A_149 : i32
      %sign3A_151 = arith.constant 0 : i32
      %sign3A_152 = arith.cmpi sgt, %jit3A, %sign3A_151 : i32
      %sign3A_153 = arith.extui %sign3A_152 : i1 to i32
      %sign3A_154 = arith.constant 0 : i32
      %sign3A_155 = arith.cmpi slt, %jit3A, %sign3A_154 : i32
      %sign3A_156 = arith.extui %sign3A_155 : i1 to i32
      %sign3A_157 = arith.subi %sign3A_153, %sign3A_156 : i32
      %ne3A = arith.cmpi ne, %sign3A_150, %sign3A_157 : i32
      %rem3A = arith.remsi %sub3A_144, %jit3A : i32
      %ne3A_158 = arith.constant 0 : i32
      %ne3A_159 = arith.cmpi ne, %rem3A, %ne3A_158 : i32
      %and3A = arith.andi %ne3A, %ne3A_159 : i1
      %sub3A_160 = arith.constant 1 : i32
      %sub3A_161 = arith.subi %div3A, %sub3A_160 : i32
      %select_n3A = arith.select %and3A, %sub3A_161, %div3A : i32
      %add3A_162 = arith.constant 1 : i32
      %add3A_163 = arith.addi %select_n3A, %add3A_162 : i32
      %jit3A_164 = arith.constant 2 : i32
      %div3A_165 = arith.divsi %add3A_163, %jit3A_164 : i32
      %sign3A_166 = arith.constant 0 : i32
      %sign3A_167 = arith.cmpi sgt, %add3A_163, %sign3A_166 : i32
      %sign3A_168 = arith.extui %sign3A_167 : i1 to i32
      %sign3A_169 = arith.constant 0 : i32
      %sign3A_170 = arith.cmpi slt, %add3A_163, %sign3A_169 : i32
      %sign3A_171 = arith.extui %sign3A_170 : i1 to i32
      %sign3A_172 = arith.subi %sign3A_168, %sign3A_171 : i32
      %sign3A_173 = arith.constant 0 : i32
      %sign3A_174 = arith.cmpi sgt, %jit3A_164, %sign3A_173 : i32
      %sign3A_175 = arith.extui %sign3A_174 : i1 to i32
      %sign3A_176 = arith.constant 0 : i32
      %sign3A_177 = arith.cmpi slt, %jit3A_164, %sign3A_176 : i32
      %sign3A_178 = arith.extui %sign3A_177 : i1 to i32
      %sign3A_179 = arith.subi %sign3A_175, %sign3A_178 : i32
      %ne3A_180 = arith.cmpi ne, %sign3A_172, %sign3A_179 : i32
      %rem3A_181 = arith.remsi %add3A_163, %jit3A_164 : i32
      %ne3A_182 = arith.constant 0 : i32
      %ne3A_183 = arith.cmpi ne, %rem3A_181, %ne3A_182 : i32
      %and3A_184 = arith.andi %ne3A_180, %ne3A_183 : i1
      %sub3A_185 = arith.constant 1 : i32
      %sub3A_186 = arith.subi %div3A_165, %sub3A_185 : i32
      %select_n3A_187 = arith.select %and3A_184, %sub3A_186, %div3A_165 : i32
      %while3A = arith.constant 0 : i32
      %while3A_188 = arith.constant 0 : i32
      %while3A_189 = arith.subi %select_n3A_187, %while3A : i32
      %while3A_190 = arith.addi %while3A, %while3A_189 : i32
      %while3A_191 = arith.constant 1 : i32
      %while3A_192 = arith.divsi %while3A_189, %while3A_191 : i32
      %while3A_193 = arith.muli %while3A_192, %while3A_191 : i32
      %while3A_194 = arith.addi %while3A, %while3A_193 : i32
      %while3A_195 = arith.constant 1 : i32
      %while3A_196 = scf.for %while3A_200 = %while3A to %while3A_194 step %while3A_195 iter_args(%while3A_201 = %while3A_188) -> (i32)  : i32 {
        %mul3A_202 = arith.constant 2 : i32
        %mul3A_203 = arith.muli %mul3A_202, %while3A_200 : i32
        %mul3A_204 = arith.constant 128 : i32
        %mul3A_205 = arith.muli %mul3A_203, %mul3A_204 : i32
        %add3A_206 = arith.constant 0 : i32
        %add3A_207 = arith.addi %mul3A_205, %add3A_206 : i32
        %iota3A_208 = tpu.iota {dimensions = array<i32: 0>} : vector<16xi32>
        %add3A_209 = vector.broadcast %add3A_207 : i32 to vector<16xi32>
        %add3A_210 = arith.addi %add3A_209, %iota3A_208 : vector<16xi32>
        %gather3A = tpu.vector_load_idx %arg9[%add3A_210] : memref<768xi32, #tpu.memory_space<vmem>>[vector<16xi32>], vector<16xi32>,
        %iota3A_211 = tpu.iota {dimensions = array<i32: 0>} : vector<16xi32>
        %add3A_212 = arith.constant 0 : i32
        %add3A_213 = vector.broadcast %add3A_212 : i32 to vector<16xi32>
        %add3A_214 = arith.addi %add3A_213, %iota3A_211 : vector<16xi32>
        %mul3A_215 = arith.constant 1 : i32
        %mul3A_216 = vector.broadcast %mul3A_215 : i32 to vector<16xi32>
        %mul3A_217 = arith.muli %add3A_214, %mul3A_216 : vector<16xi32>
        %add3A_218 = arith.constant 0 : i32
        %add3A_219 = vector.broadcast %add3A_218 : i32 to vector<16xi32>
        %add3A_220 = arith.addi %mul3A_217, %add3A_219 : vector<16xi32>
        %mul3A_221 = arith.constant 1 : i32
        %mul3A_222 = vector.broadcast %mul3A_221 : i32 to vector<16xi32>
        %mul3A_223 = arith.muli %gather3A, %mul3A_222 : vector<16xi32>
        %add3A_224 = arith.constant 0 : i32
        %add3A_225 = vector.broadcast %add3A_224 : i32 to vector<16xi32>
        %add3A_226 = arith.addi %mul3A_223, %add3A_225 : vector<16xi32>
        tpu.vector_store_idx %arg12[%add3A_220], %add3A_226 : memref<128xi32, #tpu.memory_space<vmem>>[vector<16xi32>], vector<16xi32>,
        %mul3A_227 = arith.constant 128 : i32
        %mul3A_228 = arith.muli %mul3A_203, %mul3A_227 : i32
        %add3A_229 = arith.constant 16 : i32
        %add3A_230 = arith.addi %mul3A_228, %add3A_229 : i32
        %iota3A_231 = tpu.iota {dimensions = array<i32: 0>} : vector<16xi32>
        %add3A_232 = vector.broadcast %add3A_230 : i32 to vector<16xi32>
        %add3A_233 = arith.addi %add3A_232, %iota3A_231 : vector<16xi32>
        %gather3A_234 = tpu.vector_load_idx %arg9[%add3A_233] : memref<768xi32, #tpu.memory_space<vmem>>[vector<16xi32>], vector<16xi32>,
        %iota3A_235 = tpu.iota {dimensions = array<i32: 0>} : vector<16xi32>
        %add3A_236 = arith.constant 16 : i32
        %add3A_237 = vector.broadcast %add3A_236 : i32 to vector<16xi32>
        %add3A_238 = arith.addi %add3A_237, %iota3A_235 : vector<16xi32>
        %mul3A_239 = arith.constant 1 : i32
        %mul3A_240 = vector.broadcast %mul3A_239 : i32 to vector<16xi32>
        %mul3A_241 = arith.muli %add3A_238, %mul3A_240 : vector<16xi32>
        %add3A_242 = arith.constant 0 : i32
        %add3A_243 = vector.broadcast %add3A_242 : i32 to vector<16xi32>
        %add3A_244 = arith.addi %mul3A_241, %add3A_243 : vector<16xi32>
        %mul3A_245 = arith.constant 1 : i32
        %mul3A_246 = vector.broadcast %mul3A_245 : i32 to vector<16xi32>
        %mul3A_247 = arith.muli %gather3A_234, %mul3A_246 : vector<16xi32>
        %add3A_248 = arith.constant 0 : i32
        %add3A_249 = vector.broadcast %add3A_248 : i32 to vector<16xi32>
        %add3A_250 = arith.addi %mul3A_247, %add3A_249 : vector<16xi32>
        tpu.vector_store_idx %arg12[%add3A_244], %add3A_250 : memref<128xi32, #tpu.memory_space<vmem>>[vector<16xi32>], vector<16xi32>,
        %mul3A_251 = arith.constant 128 : i32
        %mul3A_252 = arith.muli %mul3A_203, %mul3A_251 : i32
        %add3A_253 = arith.constant 32 : i32
        %add3A_254 = arith.addi %mul3A_252, %add3A_253 : i32
        %iota3A_255 = tpu.iota {dimensions = array<i32: 0>} : vector<16xi32>
        %add3A_256 = vector.broadcast %add3A_254 : i32 to vector<16xi32>
        %add3A_257 = arith.addi %add3A_256, %iota3A_255 : vector<16xi32>
        %gather3A_258 = tpu.vector_load_idx %arg9[%add3A_257] : memref<768xi32, #tpu.memory_space<vmem>>[vector<16xi32>], vector<16xi32>,
        %iota3A_259 = tpu.iota {dimensions = array<i32: 0>} : vector<16xi32>
        %add3A_260 = arith.constant 32 : i32
        %add3A_261 = vector.broadcast %add3A_260 : i32 to vector<16xi32>
        %add3A_262 = arith.addi %add3A_261, %iota3A_259 : vector<16xi32>
        %mul3A_263 = arith.constant 1 : i32
        %mul3A_264 = vector.broadcast %mul3A_263 : i32 to vector<16xi32>
        %mul3A_265 = arith.muli %add3A_262, %mul3A_264 : vector<16xi32>
        %add3A_266 = arith.constant 0 : i32
        %add3A_267 = vector.broadcast %add3A_266 : i32 to vector<16xi32>
        %add3A_268 = arith.addi %mul3A_265, %add3A_267 : vector<16xi32>
        %mul3A_269 = arith.constant 1 : i32
        %mul3A_270 = vector.broadcast %mul3A_269 : i32 to vector<16xi32>
        %mul3A_271 = arith.muli %gather3A_258, %mul3A_270 : vector<16xi32>
        %add3A_272 = arith.constant 0 : i32
        %add3A_273 = vector.broadcast %add3A_272 : i32 to vector<16xi32>
        %add3A_274 = arith.addi %mul3A_271, %add3A_273 : vector<16xi32>
        tpu.vector_store_idx %arg12[%add3A_268], %add3A_274 : memref<128xi32, #tpu.memory_space<vmem>>[vector<16xi32>], vector<16xi32>,
        %mul3A_275 = arith.constant 128 : i32
        %mul3A_276 = arith.muli %mul3A_203, %mul3A_275 : i32
        %add3A_277 = arith.constant 48 : i32
        %add3A_278 = arith.addi %mul3A_276, %add3A_277 : i32
        %iota3A_279 = tpu.iota {dimensions = array<i32: 0>} : vector<16xi32>
        %add3A_280 = vector.broadcast %add3A_278 : i32 to vector<16xi32>
        %add3A_281 = arith.addi %add3A_280, %iota3A_279 : vector<16xi32>
        %gather3A_282 = tpu.vector_load_idx %arg9[%add3A_281] : memref<768xi32, #tpu.memory_space<vmem>>[vector<16xi32>], vector<16xi32>,
        %iota3A_283 = tpu.iota {dimensions = array<i32: 0>} : vector<16xi32>
        %add3A_284 = arith.constant 48 : i32
        %add3A_285 = vector.broadcast %add3A_284 : i32 to vector<16xi32>
        %add3A_286 = arith.addi %add3A_285, %iota3A_283 : vector<16xi32>
        %mul3A_287 = arith.constant 1 : i32
        %mul3A_288 = vector.broadcast %mul3A_287 : i32 to vector<16xi32>
        %mul3A_289 = arith.muli %add3A_286, %mul3A_288 : vector<16xi32>
        %add3A_290 = arith.constant 0 : i32
        %add3A_291 = vector.broadcast %add3A_290 : i32 to vector<16xi32>
        %add3A_292 = arith.addi %mul3A_289, %add3A_291 : vector<16xi32>
        %mul3A_293 = arith.constant 1 : i32
        %mul3A_294 = vector.broadcast %mul3A_293 : i32 to vector<16xi32>
        %mul3A_295 = arith.muli %gather3A_282, %mul3A_294 : vector<16xi32>
        %add3A_296 = arith.constant 0 : i32
        %add3A_297 = vector.broadcast %add3A_296 : i32 to vector<16xi32>
        %add3A_298 = arith.addi %mul3A_295, %add3A_297 : vector<16xi32>
        tpu.vector_store_idx %arg12[%add3A_292], %add3A_298 : memref<128xi32, #tpu.memory_space<vmem>>[vector<16xi32>], vector<16xi32>,
        %mul3A_299 = arith.constant 128 : i32
        %mul3A_300 = arith.muli %mul3A_203, %mul3A_299 : i32
        %add3A_301 = arith.constant 64 : i32
        %add3A_302 = arith.addi %mul3A_300, %add3A_301 : i32
        %iota3A_303 = tpu.iota {dimensions = array<i32: 0>} : vector<16xi32>
        %add3A_304 = vector.broadcast %add3A_302 : i32 to vector<16xi32>
        %add3A_305 = arith.addi %add3A_304, %iota3A_303 : vector<16xi32>
        %gather3A_306 = tpu.vector_load_idx %arg9[%add3A_305] : memref<768xi32, #tpu.memory_space<vmem>>[vector<16xi32>], vector<16xi32>,
        %iota3A_307 = tpu.iota {dimensions = array<i32: 0>} : vector<16xi32>
        %add3A_308 = arith.constant 64 : i32
        %add3A_309 = vector.broadcast %add3A_308 : i32 to vector<16xi32>
        %add3A_310 = arith.addi %add3A_309, %iota3A_307 : vector<16xi32>
        %mul3A_311 = arith.constant 1 : i32
        %mul3A_312 = vector.broadcast %mul3A_311 : i32 to vector<16xi32>
        %mul3A_313 = arith.muli %add3A_310, %mul3A_312 : vector<16xi32>
        %add3A_314 = arith.constant 0 : i32
        %add3A_315 = vector.broadcast %add3A_314 : i32 to vector<16xi32>
        %add3A_316 = arith.addi %mul3A_313, %add3A_315 : vector<16xi32>
        %mul3A_317 = arith.constant 1 : i32
        %mul3A_318 = vector.broadcast %mul3A_317 : i32 to vector<16xi32>
        %mul3A_319 = arith.muli %gather3A_306, %mul3A_318 : vector<16xi32>
        %add3A_320 = arith.constant 0 : i32
        %add3A_321 = vector.broadcast %add3A_320 : i32 to vector<16xi32>
        %add3A_322 = arith.addi %mul3A_319, %add3A_321 : vector<16xi32>
        tpu.vector_store_idx %arg12[%add3A_316], %add3A_322 : memref<128xi32, #tpu.memory_space<vmem>>[vector<16xi32>], vector<16xi32>,
        %mul3A_323 = arith.constant 128 : i32
        %mul3A_324 = arith.muli %mul3A_203, %mul3A_323 : i32
        %add3A_325 = arith.constant 80 : i32
        %add3A_326 = arith.addi %mul3A_324, %add3A_325 : i32
        %iota3A_327 = tpu.iota {dimensions = array<i32: 0>} : vector<16xi32>
        %add3A_328 = vector.broadcast %add3A_326 : i32 to vector<16xi32>
        %add3A_329 = arith.addi %add3A_328, %iota3A_327 : vector<16xi32>
        %gather3A_330 = tpu.vector_load_idx %arg9[%add3A_329] : memref<768xi32, #tpu.memory_space<vmem>>[vector<16xi32>], vector<16xi32>,
        %iota3A_331 = tpu.iota {dimensions = array<i32: 0>} : vector<16xi32>
        %add3A_332 = arith.constant 80 : i32
        %add3A_333 = vector.broadcast %add3A_332 : i32 to vector<16xi32>
        %add3A_334 = arith.addi %add3A_333, %iota3A_331 : vector<16xi32>
        %mul3A_335 = arith.constant 1 : i32
        %mul3A_336 = vector.broadcast %mul3A_335 : i32 to vector<16xi32>
        %mul3A_337 = arith.muli %add3A_334, %mul3A_336 : vector<16xi32>
        %add3A_338 = arith.constant 0 : i32
        %add3A_339 = vector.broadcast %add3A_338 : i32 to vector<16xi32>
        %add3A_340 = arith.addi %mul3A_337, %add3A_339 : vector<16xi32>
        %mul3A_341 = arith.constant 1 : i32
        %mul3A_342 = vector.broadcast %mul3A_341 : i32 to vector<16xi32>
        %mul3A_343 = arith.muli %gather3A_330, %mul3A_342 : vector<16xi32>
        %add3A_344 = arith.constant 0 : i32
        %add3A_345 = vector.broadcast %add3A_344 : i32 to vector<16xi32>
        %add3A_346 = arith.addi %mul3A_343, %add3A_345 : vector<16xi32>
        tpu.vector_store_idx %arg12[%add3A_340], %add3A_346 : memref<128xi32, #tpu.memory_space<vmem>>[vector<16xi32>], vector<16xi32>,
        %mul3A_347 = arith.constant 128 : i32
        %mul3A_348 = arith.muli %mul3A_203, %mul3A_347 : i32
        %add3A_349 = arith.constant 96 : i32
        %add3A_350 = arith.addi %mul3A_348, %add3A_349 : i32
        %iota3A_351 = tpu.iota {dimensions = array<i32: 0>} : vector<16xi32>
        %add3A_352 = vector.broadcast %add3A_350 : i32 to vector<16xi32>
        %add3A_353 = arith.addi %add3A_352, %iota3A_351 : vector<16xi32>
        %gather3A_354 = tpu.vector_load_idx %arg9[%add3A_353] : memref<768xi32, #tpu.memory_space<vmem>>[vector<16xi32>], vector<16xi32>,
        %iota3A_355 = tpu.iota {dimensions = array<i32: 0>} : vector<16xi32>
        %add3A_356 = arith.constant 96 : i32
        %add3A_357 = vector.broadcast %add3A_356 : i32 to vector<16xi32>
        %add3A_358 = arith.addi %add3A_357, %iota3A_355 : vector<16xi32>
        %mul3A_359 = arith.constant 1 : i32
        %mul3A_360 = vector.broadcast %mul3A_359 : i32 to vector<16xi32>
        %mul3A_361 = arith.muli %add3A_358, %mul3A_360 : vector<16xi32>
        %add3A_362 = arith.constant 0 : i32
        %add3A_363 = vector.broadcast %add3A_362 : i32 to vector<16xi32>
        %add3A_364 = arith.addi %mul3A_361, %add3A_363 : vector<16xi32>
        %mul3A_365 = arith.constant 1 : i32
        %mul3A_366 = vector.broadcast %mul3A_365 : i32 to vector<16xi32>
        %mul3A_367 = arith.muli %gather3A_354, %mul3A_366 : vector<16xi32>
        %add3A_368 = arith.constant 0 : i32
        %add3A_369 = vector.broadcast %add3A_368 : i32 to vector<16xi32>
        %add3A_370 = arith.addi %mul3A_367, %add3A_369 : vector<16xi32>
        tpu.vector_store_idx %arg12[%add3A_364], %add3A_370 : memref<128xi32, #tpu.memory_space<vmem>>[vector<16xi32>], vector<16xi32>,
        %mul3A_371 = arith.constant 128 : i32
        %mul3A_372 = arith.muli %mul3A_203, %mul3A_371 : i32
        %add3A_373 = arith.constant 112 : i32
        %add3A_374 = arith.addi %mul3A_372, %add3A_373 : i32
        %iota3A_375 = tpu.iota {dimensions = array<i32: 0>} : vector<16xi32>
        %add3A_376 = vector.broadcast %add3A_374 : i32 to vector<16xi32>
        %add3A_377 = arith.addi %add3A_376, %iota3A_375 : vector<16xi32>
        %gather3A_378 = tpu.vector_load_idx %arg9[%add3A_377] : memref<768xi32, #tpu.memory_space<vmem>>[vector<16xi32>], vector<16xi32>,
        %iota3A_379 = tpu.iota {dimensions = array<i32: 0>} : vector<16xi32>
        %add3A_380 = arith.constant 112 : i32
        %add3A_381 = vector.broadcast %add3A_380 : i32 to vector<16xi32>
        %add3A_382 = arith.addi %add3A_381, %iota3A_379 : vector<16xi32>
        %mul3A_383 = arith.constant 1 : i32
        %mul3A_384 = vector.broadcast %mul3A_383 : i32 to vector<16xi32>
        %mul3A_385 = arith.muli %add3A_382, %mul3A_384 : vector<16xi32>
        %add3A_386 = arith.constant 0 : i32
        %add3A_387 = vector.broadcast %add3A_386 : i32 to vector<16xi32>
        %add3A_388 = arith.addi %mul3A_385, %add3A_387 : vector<16xi32>
        %mul3A_389 = arith.constant 1 : i32
        %mul3A_390 = vector.broadcast %mul3A_389 : i32 to vector<16xi32>
        %mul3A_391 = arith.muli %gather3A_378, %mul3A_390 : vector<16xi32>
        %add3A_392 = arith.constant 0 : i32
        %add3A_393 = vector.broadcast %add3A_392 : i32 to vector<16xi32>
        %add3A_394 = arith.addi %mul3A_391, %add3A_393 : vector<16xi32>
        tpu.vector_store_idx %arg12[%add3A_388], %add3A_394 : memref<128xi32, #tpu.memory_space<vmem>>[vector<16xi32>], vector<16xi32>,
        %mul3A_395 = arith.constant 2 : i32
        %mul3A_396 = arith.muli %mul3A_395, %while3A_200 : i32
        %add3A_397 = arith.constant 1 : i32
        %add3A_398 = arith.addi %mul3A_396, %add3A_397 : i32
        %mul3A_399 = arith.constant 128 : i32
        %mul3A_400 = arith.muli %add3A_398, %mul3A_399 : i32
        %add3A_401 = arith.constant 0 : i32
        %add3A_402 = arith.addi %mul3A_400, %add3A_401 : i32
        %iota3A_403 = tpu.iota {dimensions = array<i32: 0>} : vector<16xi32>
        %add3A_404 = vector.broadcast %add3A_402 : i32 to vector<16xi32>
        %add3A_405 = arith.addi %add3A_404, %iota3A_403 : vector<16xi32>
        %gather3A_406 = tpu.vector_load_idx %arg9[%add3A_405] : memref<768xi32, #tpu.memory_space<vmem>>[vector<16xi32>], vector<16xi32>,
        %iota3A_407 = tpu.iota {dimensions = array<i32: 0>} : vector<16xi32>
        %add3A_408 = arith.constant 0 : i32
        %add3A_409 = vector.broadcast %add3A_408 : i32 to vector<16xi32>
        %add3A_410 = arith.addi %add3A_409, %iota3A_407 : vector<16xi32>
        %mul3A_411 = arith.constant 1 : i32
        %mul3A_412 = vector.broadcast %mul3A_411 : i32 to vector<16xi32>
        %mul3A_413 = arith.muli %add3A_410, %mul3A_412 : vector<16xi32>
        %add3A_414 = arith.constant 0 : i32
        %add3A_415 = vector.broadcast %add3A_414 : i32 to vector<16xi32>
        %add3A_416 = arith.addi %mul3A_413, %add3A_415 : vector<16xi32>
        %mul3A_417 = arith.constant 1 : i32
        %mul3A_418 = vector.broadcast %mul3A_417 : i32 to vector<16xi32>
        %mul3A_419 = arith.muli %gather3A_406, %mul3A_418 : vector<16xi32>
        %add3A_420 = arith.constant 0 : i32
        %add3A_421 = vector.broadcast %add3A_420 : i32 to vector<16xi32>
        %add3A_422 = arith.addi %mul3A_419, %add3A_421 : vector<16xi32>
        tpu.vector_store_idx %arg14[%add3A_416], %add3A_422 : memref<128xi32, #tpu.memory_space<vmem>>[vector<16xi32>], vector<16xi32>,
        %mul3A_423 = arith.constant 128 : i32
        %mul3A_424 = arith.muli %add3A_398, %mul3A_423 : i32
        %add3A_425 = arith.constant 16 : i32
        %add3A_426 = arith.addi %mul3A_424, %add3A_425 : i32
        %iota3A_427 = tpu.iota {dimensions = array<i32: 0>} : vector<16xi32>
        %add3A_428 = vector.broadcast %add3A_426 : i32 to vector<16xi32>
        %add3A_429 = arith.addi %add3A_428, %iota3A_427 : vector<16xi32>
        %gather3A_430 = tpu.vector_load_idx %arg9[%add3A_429] : memref<768xi32, #tpu.memory_space<vmem>>[vector<16xi32>], vector<16xi32>,
        %iota3A_431 = tpu.iota {dimensions = array<i32: 0>} : vector<16xi32>
        %add3A_432 = arith.constant 16 : i32
        %add3A_433 = vector.broadcast %add3A_432 : i32 to vector<16xi32>
        %add3A_434 = arith.addi %add3A_433, %iota3A_431 : vector<16xi32>
        %mul3A_435 = arith.constant 1 : i32
        %mul3A_436 = vector.broadcast %mul3A_435 : i32 to vector<16xi32>
        %mul3A_437 = arith.muli %add3A_434, %mul3A_436 : vector<16xi32>
        %add3A_438 = arith.constant 0 : i32
        %add3A_439 = vector.broadcast %add3A_438 : i32 to vector<16xi32>
        %add3A_440 = arith.addi %mul3A_437, %add3A_439 : vector<16xi32>
        %mul3A_441 = arith.constant 1 : i32
        %mul3A_442 = vector.broadcast %mul3A_441 : i32 to vector<16xi32>
        %mul3A_443 = arith.muli %gather3A_430, %mul3A_442 : vector<16xi32>
        %add3A_444 = arith.constant 0 : i32
        %add3A_445 = vector.broadcast %add3A_444 : i32 to vector<16xi32>
        %add3A_446 = arith.addi %mul3A_443, %add3A_445 : vector<16xi32>
        tpu.vector_store_idx %arg14[%add3A_440], %add3A_446 : memref<128xi32, #tpu.memory_space<vmem>>[vector<16xi32>], vector<16xi32>,
        %mul3A_447 = arith.constant 128 : i32
        %mul3A_448 = arith.muli %add3A_398, %mul3A_447 : i32
        %add3A_449 = arith.constant 32 : i32
        %add3A_450 = arith.addi %mul3A_448, %add3A_449 : i32
        %iota3A_451 = tpu.iota {dimensions = array<i32: 0>} : vector<16xi32>
        %add3A_452 = vector.broadcast %add3A_450 : i32 to vector<16xi32>
        %add3A_453 = arith.addi %add3A_452, %iota3A_451 : vector<16xi32>
        %gather3A_454 = tpu.vector_load_idx %arg9[%add3A_453] : memref<768xi32, #tpu.memory_space<vmem>>[vector<16xi32>], vector<16xi32>,
        %iota3A_455 = tpu.iota {dimensions = array<i32: 0>} : vector<16xi32>
        %add3A_456 = arith.constant 32 : i32
        %add3A_457 = vector.broadcast %add3A_456 : i32 to vector<16xi32>
        %add3A_458 = arith.addi %add3A_457, %iota3A_455 : vector<16xi32>
        %mul3A_459 = arith.constant 1 : i32
        %mul3A_460 = vector.broadcast %mul3A_459 : i32 to vector<16xi32>
        %mul3A_461 = arith.muli %add3A_458, %mul3A_460 : vector<16xi32>
        %add3A_462 = arith.constant 0 : i32
        %add3A_463 = vector.broadcast %add3A_462 : i32 to vector<16xi32>
        %add3A_464 = arith.addi %mul3A_461, %add3A_463 : vector<16xi32>
        %mul3A_465 = arith.constant 1 : i32
        %mul3A_466 = vector.broadcast %mul3A_465 : i32 to vector<16xi32>
        %mul3A_467 = arith.muli %gather3A_454, %mul3A_466 : vector<16xi32>
        %add3A_468 = arith.constant 0 : i32
        %add3A_469 = vector.broadcast %add3A_468 : i32 to vector<16xi32>
        %add3A_470 = arith.addi %mul3A_467, %add3A_469 : vector<16xi32>
        tpu.vector_store_idx %arg14[%add3A_464], %add3A_470 : memref<128xi32, #tpu.memory_space<vmem>>[vector<16xi32>], vector<16xi32>,
        %mul3A_471 = arith.constant 128 : i32
        %mul3A_472 = arith.muli %add3A_398, %mul3A_471 : i32
        %add3A_473 = arith.constant 48 : i32
        %add3A_474 = arith.addi %mul3A_472, %add3A_473 : i32
        %iota3A_475 = tpu.iota {dimensions = array<i32: 0>} : vector<16xi32>
        %add3A_476 = vector.broadcast %add3A_474 : i32 to vector<16xi32>
        %add3A_477 = arith.addi %add3A_476, %iota3A_475 : vector<16xi32>
        %gather3A_478 = tpu.vector_load_idx %arg9[%add3A_477] : memref<768xi32, #tpu.memory_space<vmem>>[vector<16xi32>], vector<16xi32>,
        %iota3A_479 = tpu.iota {dimensions = array<i32: 0>} : vector<16xi32>
        %add3A_480 = arith.constant 48 : i32
        %add3A_481 = vector.broadcast %add3A_480 : i32 to vector<16xi32>
        %add3A_482 = arith.addi %add3A_481, %iota3A_479 : vector<16xi32>
        %mul3A_483 = arith.constant 1 : i32
        %mul3A_484 = vector.broadcast %mul3A_483 : i32 to vector<16xi32>
        %mul3A_485 = arith.muli %add3A_482, %mul3A_484 : vector<16xi32>
        %add3A_486 = arith.constant 0 : i32
        %add3A_487 = vector.broadcast %add3A_486 : i32 to vector<16xi32>
        %add3A_488 = arith.addi %mul3A_485, %add3A_487 : vector<16xi32>
        %mul3A_489 = arith.constant 1 : i32
        %mul3A_490 = vector.broadcast %mul3A_489 : i32 to vector<16xi32>
        %mul3A_491 = arith.muli %gather3A_478, %mul3A_490 : vector<16xi32>
        %add3A_492 = arith.constant 0 : i32
        %add3A_493 = vector.broadcast %add3A_492 : i32 to vector<16xi32>
        %add3A_494 = arith.addi %mul3A_491, %add3A_493 : vector<16xi32>
        tpu.vector_store_idx %arg14[%add3A_488], %add3A_494 : memref<128xi32, #tpu.memory_space<vmem>>[vector<16xi32>], vector<16xi32>,
        %mul3A_495 = arith.constant 128 : i32
        %mul3A_496 = arith.muli %add3A_398, %mul3A_495 : i32
        %add3A_497 = arith.constant 64 : i32
        %add3A_498 = arith.addi %mul3A_496, %add3A_497 : i32
        %iota3A_499 = tpu.iota {dimensions = array<i32: 0>} : vector<16xi32>
        %add3A_500 = vector.broadcast %add3A_498 : i32 to vector<16xi32>
        %add3A_501 = arith.addi %add3A_500, %iota3A_499 : vector<16xi32>
        %gather3A_502 = tpu.vector_load_idx %arg9[%add3A_501] : memref<768xi32, #tpu.memory_space<vmem>>[vector<16xi32>], vector<16xi32>,
        %iota3A_503 = tpu.iota {dimensions = array<i32: 0>} : vector<16xi32>
        %add3A_504 = arith.constant 64 : i32
        %add3A_505 = vector.broadcast %add3A_504 : i32 to vector<16xi32>
        %add3A_506 = arith.addi %add3A_505, %iota3A_503 : vector<16xi32>
        %mul3A_507 = arith.constant 1 : i32
        %mul3A_508 = vector.broadcast %mul3A_507 : i32 to vector<16xi32>
        %mul3A_509 = arith.muli %add3A_506, %mul3A_508 : vector<16xi32>
        %add3A_510 = arith.constant 0 : i32
        %add3A_511 = vector.broadcast %add3A_510 : i32 to vector<16xi32>
        %add3A_512 = arith.addi %mul3A_509, %add3A_511 : vector<16xi32>
        %mul3A_513 = arith.constant 1 : i32
        %mul3A_514 = vector.broadcast %mul3A_513 : i32 to vector<16xi32>
        %mul3A_515 = arith.muli %gather3A_502, %mul3A_514 : vector<16xi32>
        %add3A_516 = arith.constant 0 : i32
        %add3A_517 = vector.broadcast %add3A_516 : i32 to vector<16xi32>
        %add3A_518 = arith.addi %mul3A_515, %add3A_517 : vector<16xi32>
        tpu.vector_store_idx %arg14[%add3A_512], %add3A_518 : memref<128xi32, #tpu.memory_space<vmem>>[vector<16xi32>], vector<16xi32>,
        %mul3A_519 = arith.constant 128 : i32
        %mul3A_520 = arith.muli %add3A_398, %mul3A_519 : i32
        %add3A_521 = arith.constant 80 : i32
        %add3A_522 = arith.addi %mul3A_520, %add3A_521 : i32
        %iota3A_523 = tpu.iota {dimensions = array<i32: 0>} : vector<16xi32>
        %add3A_524 = vector.broadcast %add3A_522 : i32 to vector<16xi32>
        %add3A_525 = arith.addi %add3A_524, %iota3A_523 : vector<16xi32>
        %gather3A_526 = tpu.vector_load_idx %arg9[%add3A_525] : memref<768xi32, #tpu.memory_space<vmem>>[vector<16xi32>], vector<16xi32>,
        %iota3A_527 = tpu.iota {dimensions = array<i32: 0>} : vector<16xi32>
        %add3A_528 = arith.constant 80 : i32
        %add3A_529 = vector.broadcast %add3A_528 : i32 to vector<16xi32>
        %add3A_530 = arith.addi %add3A_529, %iota3A_527 : vector<16xi32>
        %mul3A_531 = arith.constant 1 : i32
        %mul3A_532 = vector.broadcast %mul3A_531 : i32 to vector<16xi32>
        %mul3A_533 = arith.muli %add3A_530, %mul3A_532 : vector<16xi32>
        %add3A_534 = arith.constant 0 : i32
        %add3A_535 = vector.broadcast %add3A_534 : i32 to vector<16xi32>
        %add3A_536 = arith.addi %mul3A_533, %add3A_535 : vector<16xi32>
        %mul3A_537 = arith.constant 1 : i32
        %mul3A_538 = vector.broadcast %mul3A_537 : i32 to vector<16xi32>
        %mul3A_539 = arith.muli %gather3A_526, %mul3A_538 : vector<16xi32>
        %add3A_540 = arith.constant 0 : i32
        %add3A_541 = vector.broadcast %add3A_540 : i32 to vector<16xi32>
        %add3A_542 = arith.addi %mul3A_539, %add3A_541 : vector<16xi32>
        tpu.vector_store_idx %arg14[%add3A_536], %add3A_542 : memref<128xi32, #tpu.memory_space<vmem>>[vector<16xi32>], vector<16xi32>,
        %mul3A_543 = arith.constant 128 : i32
        %mul3A_544 = arith.muli %add3A_398, %mul3A_543 : i32
        %add3A_545 = arith.constant 96 : i32
        %add3A_546 = arith.addi %mul3A_544, %add3A_545 : i32
        %iota3A_547 = tpu.iota {dimensions = array<i32: 0>} : vector<16xi32>
        %add3A_548 = vector.broadcast %add3A_546 : i32 to vector<16xi32>
        %add3A_549 = arith.addi %add3A_548, %iota3A_547 : vector<16xi32>
        %gather3A_550 = tpu.vector_load_idx %arg9[%add3A_549] : memref<768xi32, #tpu.memory_space<vmem>>[vector<16xi32>], vector<16xi32>,
        %iota3A_551 = tpu.iota {dimensions = array<i32: 0>} : vector<16xi32>
        %add3A_552 = arith.constant 96 : i32
        %add3A_553 = vector.broadcast %add3A_552 : i32 to vector<16xi32>
        %add3A_554 = arith.addi %add3A_553, %iota3A_551 : vector<16xi32>
        %mul3A_555 = arith.constant 1 : i32
        %mul3A_556 = vector.broadcast %mul3A_555 : i32 to vector<16xi32>
        %mul3A_557 = arith.muli %add3A_554, %mul3A_556 : vector<16xi32>
        %add3A_558 = arith.constant 0 : i32
        %add3A_559 = vector.broadcast %add3A_558 : i32 to vector<16xi32>
        %add3A_560 = arith.addi %mul3A_557, %add3A_559 : vector<16xi32>
        %mul3A_561 = arith.constant 1 : i32
        %mul3A_562 = vector.broadcast %mul3A_561 : i32 to vector<16xi32>
        %mul3A_563 = arith.muli %gather3A_550, %mul3A_562 : vector<16xi32>
        %add3A_564 = arith.constant 0 : i32
        %add3A_565 = vector.broadcast %add3A_564 : i32 to vector<16xi32>
        %add3A_566 = arith.addi %mul3A_563, %add3A_565 : vector<16xi32>
        tpu.vector_store_idx %arg14[%add3A_560], %add3A_566 : memref<128xi32, #tpu.memory_space<vmem>>[vector<16xi32>], vector<16xi32>,
        %mul3A_567 = arith.constant 128 : i32
        %mul3A_568 = arith.muli %add3A_398, %mul3A_567 : i32
        %add3A_569 = arith.constant 112 : i32
        %add3A_570 = arith.addi %mul3A_568, %add3A_569 : i32
        %iota3A_571 = tpu.iota {dimensions = array<i32: 0>} : vector<16xi32>
        %add3A_572 = vector.broadcast %add3A_570 : i32 to vector<16xi32>
        %add3A_573 = arith.addi %add3A_572, %iota3A_571 : vector<16xi32>
        %gather3A_574 = tpu.vector_load_idx %arg9[%add3A_573] : memref<768xi32, #tpu.memory_space<vmem>>[vector<16xi32>], vector<16xi32>,
        %iota3A_575 = tpu.iota {dimensions = array<i32: 0>} : vector<16xi32>
        %add3A_576 = arith.constant 112 : i32
        %add3A_577 = vector.broadcast %add3A_576 : i32 to vector<16xi32>
        %add3A_578 = arith.addi %add3A_577, %iota3A_575 : vector<16xi32>
        %mul3A_579 = arith.constant 1 : i32
        %mul3A_580 = vector.broadcast %mul3A_579 : i32 to vector<16xi32>
        %mul3A_581 = arith.muli %add3A_578, %mul3A_580 : vector<16xi32>
        %add3A_582 = arith.constant 0 : i32
        %add3A_583 = vector.broadcast %add3A_582 : i32 to vector<16xi32>
        %add3A_584 = arith.addi %mul3A_581, %add3A_583 : vector<16xi32>
        %mul3A_585 = arith.constant 1 : i32
        %mul3A_586 = vector.broadcast %mul3A_585 : i32 to vector<16xi32>
        %mul3A_587 = arith.muli %gather3A_574, %mul3A_586 : vector<16xi32>
        %add3A_588 = arith.constant 0 : i32
        %add3A_589 = vector.broadcast %add3A_588 : i32 to vector<16xi32>
        %add3A_590 = arith.addi %mul3A_587, %add3A_589 : vector<16xi32>
        tpu.vector_store_idx %arg14[%add3A_584], %add3A_590 : memref<128xi32, #tpu.memory_space<vmem>>[vector<16xi32>], vector<16xi32>,
        "tpu.region"() ({
          %run_scoped3A = tpu.sem_alloc : memref<!tpu.dma_semaphore, #tpu.memory_space<semaphore_mem>>
          %dma_start3A = arith.constant 0 : i32
          %dma_start3A_592 = arith.constant 0 : i32
          %dma_start3A_593 = tpu.memref_slice %arg17[%dma_start3A, %dma_start3A_592] : memref<5248x128xf32, #tpu.memory_space<vmem_shared>> -> memref<5248x128xf32, #tpu.memory_space<vmem_shared>>
          tpu.enqueue_indirect_dma source(%arg15 : memref<128x128xf32, #tpu.memory_space<vmem>>) target(%dma_start3A_593 : memref<5248x128xf32, #tpu.memory_space<vmem_shared>>) offsets(%arg12 : memref<128xi32, #tpu.memory_space<vmem>>) semaphore(%run_scoped3A : memref<!tpu.dma_semaphore, #tpu.memory_space<semaphore_mem>>) {add = true}
          %dma_wait3A = arith.constant 0 : i32
          %dma_wait3A_594 = arith.constant 0 : i32
          %dma_wait3A_595 = tpu.memref_slice %arg17[%dma_wait3A, %dma_wait3A_594] : memref<5248x128xf32, #tpu.memory_space<vmem_shared>> -> memref<5248x128xf32, #tpu.memory_space<vmem_shared>>
          tpu.wait_indirect_dma semaphore(%run_scoped3A : memref<!tpu.dma_semaphore, #tpu.memory_space<semaphore_mem>>) src(%arg15 : memref<128x128xf32, #tpu.memory_space<vmem>>) dst(%dma_wait3A_595 : memref<5248x128xf32, #tpu.memory_space<vmem_shared>>)
          tpu.yield
        }) : () -> ()
        "tpu.region"() ({
          %run_scoped3A = tpu.sem_alloc : memref<!tpu.dma_semaphore, #tpu.memory_space<semaphore_mem>>
          %dma_start3A = arith.constant 0 : i32
          %dma_start3A_592 = arith.constant 0 : i32
          %dma_start3A_593 = tpu.memref_slice %arg17[%dma_start3A, %dma_start3A_592] : memref<5248x128xf32, #tpu.memory_space<vmem_shared>> -> memref<5248x128xf32, #tpu.memory_space<vmem_shared>>
          tpu.enqueue_indirect_dma source(%arg16 : memref<128x128xf32, #tpu.memory_space<vmem>>) target(%dma_start3A_593 : memref<5248x128xf32, #tpu.memory_space<vmem_shared>>) offsets(%arg14 : memref<128xi32, #tpu.memory_space<vmem>>) semaphore(%run_scoped3A : memref<!tpu.dma_semaphore, #tpu.memory_space<semaphore_mem>>) {add = true}
          %dma_wait3A = arith.constant 0 : i32
          %dma_wait3A_594 = arith.constant 0 : i32
          %dma_wait3A_595 = tpu.memref_slice %arg17[%dma_wait3A, %dma_wait3A_594] : memref<5248x128xf32, #tpu.memory_space<vmem_shared>> -> memref<5248x128xf32, #tpu.memory_space<vmem_shared>>
          tpu.wait_indirect_dma semaphore(%run_scoped3A : memref<!tpu.dma_semaphore, #tpu.memory_space<semaphore_mem>>) src(%arg16 : memref<128x128xf32, #tpu.memory_space<vmem>>) dst(%dma_wait3A_595 : memref<5248x128xf32, #tpu.memory_space<vmem_shared>>)
          tpu.yield
        }) : () -> ()
        %while3A_591 = arith.constant 0 : i32
        scf.yield %while3A_591 : i32
      }
      %while3A_197 = arith.constant 1 : i32
      %while3A_198 = scf.for %while3A_200 = %while3A_194 to %while3A_190 step %while3A_197 iter_args(%while3A_201 = %while3A_196) -> (i32)  : i32 {
        %mul3A_202 = arith.constant 2 : i32
        %mul3A_203 = arith.muli %mul3A_202, %while3A_200 : i32
        %mul3A_204 = arith.constant 128 : i32
        %mul3A_205 = arith.muli %mul3A_203, %mul3A_204 : i32
        %add3A_206 = arith.constant 0 : i32
        %add3A_207 = arith.addi %mul3A_205, %add3A_206 : i32
        %iota3A_208 = tpu.iota {dimensions = array<i32: 0>} : vector<16xi32>
        %add3A_209 = vector.broadcast %add3A_207 : i32 to vector<16xi32>
        %add3A_210 = arith.addi %add3A_209, %iota3A_208 : vector<16xi32>
        %gather3A = tpu.vector_load_idx %arg9[%add3A_210] : memref<768xi32, #tpu.memory_space<vmem>>[vector<16xi32>], vector<16xi32>,
        %iota3A_211 = tpu.iota {dimensions = array<i32: 0>} : vector<16xi32>
        %add3A_212 = arith.constant 0 : i32
        %add3A_213 = vector.broadcast %add3A_212 : i32 to vector<16xi32>
        %add3A_214 = arith.addi %add3A_213, %iota3A_211 : vector<16xi32>
        %mul3A_215 = arith.constant 1 : i32
        %mul3A_216 = vector.broadcast %mul3A_215 : i32 to vector<16xi32>
        %mul3A_217 = arith.muli %add3A_214, %mul3A_216 : vector<16xi32>
        %add3A_218 = arith.constant 0 : i32
        %add3A_219 = vector.broadcast %add3A_218 : i32 to vector<16xi32>
        %add3A_220 = arith.addi %mul3A_217, %add3A_219 : vector<16xi32>
        %mul3A_221 = arith.constant 1 : i32
        %mul3A_222 = vector.broadcast %mul3A_221 : i32 to vector<16xi32>
        %mul3A_223 = arith.muli %gather3A, %mul3A_222 : vector<16xi32>
        %add3A_224 = arith.constant 0 : i32
        %add3A_225 = vector.broadcast %add3A_224 : i32 to vector<16xi32>
        %add3A_226 = arith.addi %mul3A_223, %add3A_225 : vector<16xi32>
        tpu.vector_store_idx %arg12[%add3A_220], %add3A_226 : memref<128xi32, #tpu.memory_space<vmem>>[vector<16xi32>], vector<16xi32>,
        %mul3A_227 = arith.constant 128 : i32
        %mul3A_228 = arith.muli %mul3A_203, %mul3A_227 : i32
        %add3A_229 = arith.constant 16 : i32
        %add3A_230 = arith.addi %mul3A_228, %add3A_229 : i32
        %iota3A_231 = tpu.iota {dimensions = array<i32: 0>} : vector<16xi32>
        %add3A_232 = vector.broadcast %add3A_230 : i32 to vector<16xi32>
        %add3A_233 = arith.addi %add3A_232, %iota3A_231 : vector<16xi32>
        %gather3A_234 = tpu.vector_load_idx %arg9[%add3A_233] : memref<768xi32, #tpu.memory_space<vmem>>[vector<16xi32>], vector<16xi32>,
        %iota3A_235 = tpu.iota {dimensions = array<i32: 0>} : vector<16xi32>
        %add3A_236 = arith.constant 16 : i32
        %add3A_237 = vector.broadcast %add3A_236 : i32 to vector<16xi32>
        %add3A_238 = arith.addi %add3A_237, %iota3A_235 : vector<16xi32>
        %mul3A_239 = arith.constant 1 : i32
        %mul3A_240 = vector.broadcast %mul3A_239 : i32 to vector<16xi32>
        %mul3A_241 = arith.muli %add3A_238, %mul3A_240 : vector<16xi32>
        %add3A_242 = arith.constant 0 : i32
        %add3A_243 = vector.broadcast %add3A_242 : i32 to vector<16xi32>
        %add3A_244 = arith.addi %mul3A_241, %add3A_243 : vector<16xi32>
        %mul3A_245 = arith.constant 1 : i32
        %mul3A_246 = vector.broadcast %mul3A_245 : i32 to vector<16xi32>
        %mul3A_247 = arith.muli %gather3A_234, %mul3A_246 : vector<16xi32>
        %add3A_248 = arith.constant 0 : i32
        %add3A_249 = vector.broadcast %add3A_248 : i32 to vector<16xi32>
        %add3A_250 = arith.addi %mul3A_247, %add3A_249 : vector<16xi32>
        tpu.vector_store_idx %arg12[%add3A_244], %add3A_250 : memref<128xi32, #tpu.memory_space<vmem>>[vector<16xi32>], vector<16xi32>,
        %mul3A_251 = arith.constant 128 : i32
        %mul3A_252 = arith.muli %mul3A_203, %mul3A_251 : i32
        %add3A_253 = arith.constant 32 : i32
        %add3A_254 = arith.addi %mul3A_252, %add3A_253 : i32
        %iota3A_255 = tpu.iota {dimensions = array<i32: 0>} : vector<16xi32>
        %add3A_256 = vector.broadcast %add3A_254 : i32 to vector<16xi32>
        %add3A_257 = arith.addi %add3A_256, %iota3A_255 : vector<16xi32>
        %gather3A_258 = tpu.vector_load_idx %arg9[%add3A_257] : memref<768xi32, #tpu.memory_space<vmem>>[vector<16xi32>], vector<16xi32>,
        %iota3A_259 = tpu.iota {dimensions = array<i32: 0>} : vector<16xi32>
        %add3A_260 = arith.constant 32 : i32
        %add3A_261 = vector.broadcast %add3A_260 : i32 to vector<16xi32>
        %add3A_262 = arith.addi %add3A_261, %iota3A_259 : vector<16xi32>
        %mul3A_263 = arith.constant 1 : i32
        %mul3A_264 = vector.broadcast %mul3A_263 : i32 to vector<16xi32>
        %mul3A_265 = arith.muli %add3A_262, %mul3A_264 : vector<16xi32>
        %add3A_266 = arith.constant 0 : i32
        %add3A_267 = vector.broadcast %add3A_266 : i32 to vector<16xi32>
        %add3A_268 = arith.addi %mul3A_265, %add3A_267 : vector<16xi32>
        %mul3A_269 = arith.constant 1 : i32
        %mul3A_270 = vector.broadcast %mul3A_269 : i32 to vector<16xi32>
        %mul3A_271 = arith.muli %gather3A_258, %mul3A_270 : vector<16xi32>
        %add3A_272 = arith.constant 0 : i32
        %add3A_273 = vector.broadcast %add3A_272 : i32 to vector<16xi32>
        %add3A_274 = arith.addi %mul3A_271, %add3A_273 : vector<16xi32>
        tpu.vector_store_idx %arg12[%add3A_268], %add3A_274 : memref<128xi32, #tpu.memory_space<vmem>>[vector<16xi32>], vector<16xi32>,
        %mul3A_275 = arith.constant 128 : i32
        %mul3A_276 = arith.muli %mul3A_203, %mul3A_275 : i32
        %add3A_277 = arith.constant 48 : i32
        %add3A_278 = arith.addi %mul3A_276, %add3A_277 : i32
        %iota3A_279 = tpu.iota {dimensions = array<i32: 0>} : vector<16xi32>
        %add3A_280 = vector.broadcast %add3A_278 : i32 to vector<16xi32>
        %add3A_281 = arith.addi %add3A_280, %iota3A_279 : vector<16xi32>
        %gather3A_282 = tpu.vector_load_idx %arg9[%add3A_281] : memref<768xi32, #tpu.memory_space<vmem>>[vector<16xi32>], vector<16xi32>,
        %iota3A_283 = tpu.iota {dimensions = array<i32: 0>} : vector<16xi32>
        %add3A_284 = arith.constant 48 : i32
        %add3A_285 = vector.broadcast %add3A_284 : i32 to vector<16xi32>
        %add3A_286 = arith.addi %add3A_285, %iota3A_283 : vector<16xi32>
        %mul3A_287 = arith.constant 1 : i32
        %mul3A_288 = vector.broadcast %mul3A_287 : i32 to vector<16xi32>
        %mul3A_289 = arith.muli %add3A_286, %mul3A_288 : vector<16xi32>
        %add3A_290 = arith.constant 0 : i32
        %add3A_291 = vector.broadcast %add3A_290 : i32 to vector<16xi32>
        %add3A_292 = arith.addi %mul3A_289, %add3A_291 : vector<16xi32>
        %mul3A_293 = arith.constant 1 : i32
        %mul3A_294 = vector.broadcast %mul3A_293 : i32 to vector<16xi32>
        %mul3A_295 = arith.muli %gather3A_282, %mul3A_294 : vector<16xi32>
        %add3A_296 = arith.constant 0 : i32
        %add3A_297 = vector.broadcast %add3A_296 : i32 to vector<16xi32>
        %add3A_298 = arith.addi %mul3A_295, %add3A_297 : vector<16xi32>
        tpu.vector_store_idx %arg12[%add3A_292], %add3A_298 : memref<128xi32, #tpu.memory_space<vmem>>[vector<16xi32>], vector<16xi32>,
        %mul3A_299 = arith.constant 128 : i32
        %mul3A_300 = arith.muli %mul3A_203, %mul3A_299 : i32
        %add3A_301 = arith.constant 64 : i32
        %add3A_302 = arith.addi %mul3A_300, %add3A_301 : i32
        %iota3A_303 = tpu.iota {dimensions = array<i32: 0>} : vector<16xi32>
        %add3A_304 = vector.broadcast %add3A_302 : i32 to vector<16xi32>
        %add3A_305 = arith.addi %add3A_304, %iota3A_303 : vector<16xi32>
        %gather3A_306 = tpu.vector_load_idx %arg9[%add3A_305] : memref<768xi32, #tpu.memory_space<vmem>>[vector<16xi32>], vector<16xi32>,
        %iota3A_307 = tpu.iota {dimensions = array<i32: 0>} : vector<16xi32>
        %add3A_308 = arith.constant 64 : i32
        %add3A_309 = vector.broadcast %add3A_308 : i32 to vector<16xi32>
        %add3A_310 = arith.addi %add3A_309, %iota3A_307 : vector<16xi32>
        %mul3A_311 = arith.constant 1 : i32
        %mul3A_312 = vector.broadcast %mul3A_311 : i32 to vector<16xi32>
        %mul3A_313 = arith.muli %add3A_310, %mul3A_312 : vector<16xi32>
        %add3A_314 = arith.constant 0 : i32
        %add3A_315 = vector.broadcast %add3A_314 : i32 to vector<16xi32>
        %add3A_316 = arith.addi %mul3A_313, %add3A_315 : vector<16xi32>
        %mul3A_317 = arith.constant 1 : i32
        %mul3A_318 = vector.broadcast %mul3A_317 : i32 to vector<16xi32>
        %mul3A_319 = arith.muli %gather3A_306, %mul3A_318 : vector<16xi32>
        %add3A_320 = arith.constant 0 : i32
        %add3A_321 = vector.broadcast %add3A_320 : i32 to vector<16xi32>
        %add3A_322 = arith.addi %mul3A_319, %add3A_321 : vector<16xi32>
        tpu.vector_store_idx %arg12[%add3A_316], %add3A_322 : memref<128xi32, #tpu.memory_space<vmem>>[vector<16xi32>], vector<16xi32>,
        %mul3A_323 = arith.constant 128 : i32
        %mul3A_324 = arith.muli %mul3A_203, %mul3A_323 : i32
        %add3A_325 = arith.constant 80 : i32
        %add3A_326 = arith.addi %mul3A_324, %add3A_325 : i32
        %iota3A_327 = tpu.iota {dimensions = array<i32: 0>} : vector<16xi32>
        %add3A_328 = vector.broadcast %add3A_326 : i32 to vector<16xi32>
        %add3A_329 = arith.addi %add3A_328, %iota3A_327 : vector<16xi32>
        %gather3A_330 = tpu.vector_load_idx %arg9[%add3A_329] : memref<768xi32, #tpu.memory_space<vmem>>[vector<16xi32>], vector<16xi32>,
        %iota3A_331 = tpu.iota {dimensions = array<i32: 0>} : vector<16xi32>
        %add3A_332 = arith.constant 80 : i32
        %add3A_333 = vector.broadcast %add3A_332 : i32 to vector<16xi32>
        %add3A_334 = arith.addi %add3A_333, %iota3A_331 : vector<16xi32>
        %mul3A_335 = arith.constant 1 : i32
        %mul3A_336 = vector.broadcast %mul3A_335 : i32 to vector<16xi32>
        %mul3A_337 = arith.muli %add3A_334, %mul3A_336 : vector<16xi32>
        %add3A_338 = arith.constant 0 : i32
        %add3A_339 = vector.broadcast %add3A_338 : i32 to vector<16xi32>
        %add3A_340 = arith.addi %mul3A_337, %add3A_339 : vector<16xi32>
        %mul3A_341 = arith.constant 1 : i32
        %mul3A_342 = vector.broadcast %mul3A_341 : i32 to vector<16xi32>
        %mul3A_343 = arith.muli %gather3A_330, %mul3A_342 : vector<16xi32>
        %add3A_344 = arith.constant 0 : i32
        %add3A_345 = vector.broadcast %add3A_344 : i32 to vector<16xi32>
        %add3A_346 = arith.addi %mul3A_343, %add3A_345 : vector<16xi32>
        tpu.vector_store_idx %arg12[%add3A_340], %add3A_346 : memref<128xi32, #tpu.memory_space<vmem>>[vector<16xi32>], vector<16xi32>,
        %mul3A_347 = arith.constant 128 : i32
        %mul3A_348 = arith.muli %mul3A_203, %mul3A_347 : i32
        %add3A_349 = arith.constant 96 : i32
        %add3A_350 = arith.addi %mul3A_348, %add3A_349 : i32
        %iota3A_351 = tpu.iota {dimensions = array<i32: 0>} : vector<16xi32>
        %add3A_352 = vector.broadcast %add3A_350 : i32 to vector<16xi32>
        %add3A_353 = arith.addi %add3A_352, %iota3A_351 : vector<16xi32>
        %gather3A_354 = tpu.vector_load_idx %arg9[%add3A_353] : memref<768xi32, #tpu.memory_space<vmem>>[vector<16xi32>], vector<16xi32>,
        %iota3A_355 = tpu.iota {dimensions = array<i32: 0>} : vector<16xi32>
        %add3A_356 = arith.constant 96 : i32
        %add3A_357 = vector.broadcast %add3A_356 : i32 to vector<16xi32>
        %add3A_358 = arith.addi %add3A_357, %iota3A_355 : vector<16xi32>
        %mul3A_359 = arith.constant 1 : i32
        %mul3A_360 = vector.broadcast %mul3A_359 : i32 to vector<16xi32>
        %mul3A_361 = arith.muli %add3A_358, %mul3A_360 : vector<16xi32>
        %add3A_362 = arith.constant 0 : i32
        %add3A_363 = vector.broadcast %add3A_362 : i32 to vector<16xi32>
        %add3A_364 = arith.addi %mul3A_361, %add3A_363 : vector<16xi32>
        %mul3A_365 = arith.constant 1 : i32
        %mul3A_366 = vector.broadcast %mul3A_365 : i32 to vector<16xi32>
        %mul3A_367 = arith.muli %gather3A_354, %mul3A_366 : vector<16xi32>
        %add3A_368 = arith.constant 0 : i32
        %add3A_369 = vector.broadcast %add3A_368 : i32 to vector<16xi32>
        %add3A_370 = arith.addi %mul3A_367, %add3A_369 : vector<16xi32>
        tpu.vector_store_idx %arg12[%add3A_364], %add3A_370 : memref<128xi32, #tpu.memory_space<vmem>>[vector<16xi32>], vector<16xi32>,
        %mul3A_371 = arith.constant 128 : i32
        %mul3A_372 = arith.muli %mul3A_203, %mul3A_371 : i32
        %add3A_373 = arith.constant 112 : i32
        %add3A_374 = arith.addi %mul3A_372, %add3A_373 : i32
        %iota3A_375 = tpu.iota {dimensions = array<i32: 0>} : vector<16xi32>
        %add3A_376 = vector.broadcast %add3A_374 : i32 to vector<16xi32>
        %add3A_377 = arith.addi %add3A_376, %iota3A_375 : vector<16xi32>
        %gather3A_378 = tpu.vector_load_idx %arg9[%add3A_377] : memref<768xi32, #tpu.memory_space<vmem>>[vector<16xi32>], vector<16xi32>,
        %iota3A_379 = tpu.iota {dimensions = array<i32: 0>} : vector<16xi32>
        %add3A_380 = arith.constant 112 : i32
        %add3A_381 = vector.broadcast %add3A_380 : i32 to vector<16xi32>
        %add3A_382 = arith.addi %add3A_381, %iota3A_379 : vector<16xi32>
        %mul3A_383 = arith.constant 1 : i32
        %mul3A_384 = vector.broadcast %mul3A_383 : i32 to vector<16xi32>
        %mul3A_385 = arith.muli %add3A_382, %mul3A_384 : vector<16xi32>
        %add3A_386 = arith.constant 0 : i32
        %add3A_387 = vector.broadcast %add3A_386 : i32 to vector<16xi32>
        %add3A_388 = arith.addi %mul3A_385, %add3A_387 : vector<16xi32>
        %mul3A_389 = arith.constant 1 : i32
        %mul3A_390 = vector.broadcast %mul3A_389 : i32 to vector<16xi32>
        %mul3A_391 = arith.muli %gather3A_378, %mul3A_390 : vector<16xi32>
        %add3A_392 = arith.constant 0 : i32
        %add3A_393 = vector.broadcast %add3A_392 : i32 to vector<16xi32>
        %add3A_394 = arith.addi %mul3A_391, %add3A_393 : vector<16xi32>
        tpu.vector_store_idx %arg12[%add3A_388], %add3A_394 : memref<128xi32, #tpu.memory_space<vmem>>[vector<16xi32>], vector<16xi32>,
        %mul3A_395 = arith.constant 2 : i32
        %mul3A_396 = arith.muli %mul3A_395, %while3A_200 : i32
        %add3A_397 = arith.constant 1 : i32
        %add3A_398 = arith.addi %mul3A_396, %add3A_397 : i32
        %mul3A_399 = arith.constant 128 : i32
        %mul3A_400 = arith.muli %add3A_398, %mul3A_399 : i32
        %add3A_401 = arith.constant 0 : i32
        %add3A_402 = arith.addi %mul3A_400, %add3A_401 : i32
        %iota3A_403 = tpu.iota {dimensions = array<i32: 0>} : vector<16xi32>
        %add3A_404 = vector.broadcast %add3A_402 : i32 to vector<16xi32>
        %add3A_405 = arith.addi %add3A_404, %iota3A_403 : vector<16xi32>
        %gather3A_406 = tpu.vector_load_idx %arg9[%add3A_405] : memref<768xi32, #tpu.memory_space<vmem>>[vector<16xi32>], vector<16xi32>,
        %iota3A_407 = tpu.iota {dimensions = array<i32: 0>} : vector<16xi32>
        %add3A_408 = arith.constant 0 : i32
        %add3A_409 = vector.broadcast %add3A_408 : i32 to vector<16xi32>
        %add3A_410 = arith.addi %add3A_409, %iota3A_407 : vector<16xi32>
        %mul3A_411 = arith.constant 1 : i32
        %mul3A_412 = vector.broadcast %mul3A_411 : i32 to vector<16xi32>
        %mul3A_413 = arith.muli %add3A_410, %mul3A_412 : vector<16xi32>
        %add3A_414 = arith.constant 0 : i32
        %add3A_415 = vector.broadcast %add3A_414 : i32 to vector<16xi32>
        %add3A_416 = arith.addi %mul3A_413, %add3A_415 : vector<16xi32>
        %mul3A_417 = arith.constant 1 : i32
        %mul3A_418 = vector.broadcast %mul3A_417 : i32 to vector<16xi32>
        %mul3A_419 = arith.muli %gather3A_406, %mul3A_418 : vector<16xi32>
        %add3A_420 = arith.constant 0 : i32
        %add3A_421 = vector.broadcast %add3A_420 : i32 to vector<16xi32>
        %add3A_422 = arith.addi %mul3A_419, %add3A_421 : vector<16xi32>
        tpu.vector_store_idx %arg14[%add3A_416], %add3A_422 : memref<128xi32, #tpu.memory_space<vmem>>[vector<16xi32>], vector<16xi32>,
        %mul3A_423 = arith.constant 128 : i32
        %mul3A_424 = arith.muli %add3A_398, %mul3A_423 : i32
        %add3A_425 = arith.constant 16 : i32
        %add3A_426 = arith.addi %mul3A_424, %add3A_425 : i32
        %iota3A_427 = tpu.iota {dimensions = array<i32: 0>} : vector<16xi32>
        %add3A_428 = vector.broadcast %add3A_426 : i32 to vector<16xi32>
        %add3A_429 = arith.addi %add3A_428, %iota3A_427 : vector<16xi32>
        %gather3A_430 = tpu.vector_load_idx %arg9[%add3A_429] : memref<768xi32, #tpu.memory_space<vmem>>[vector<16xi32>], vector<16xi32>,
        %iota3A_431 = tpu.iota {dimensions = array<i32: 0>} : vector<16xi32>
        %add3A_432 = arith.constant 16 : i32
        %add3A_433 = vector.broadcast %add3A_432 : i32 to vector<16xi32>
        %add3A_434 = arith.addi %add3A_433, %iota3A_431 : vector<16xi32>
        %mul3A_435 = arith.constant 1 : i32
        %mul3A_436 = vector.broadcast %mul3A_435 : i32 to vector<16xi32>
        %mul3A_437 = arith.muli %add3A_434, %mul3A_436 : vector<16xi32>
        %add3A_438 = arith.constant 0 : i32
        %add3A_439 = vector.broadcast %add3A_438 : i32 to vector<16xi32>
        %add3A_440 = arith.addi %mul3A_437, %add3A_439 : vector<16xi32>
        %mul3A_441 = arith.constant 1 : i32
        %mul3A_442 = vector.broadcast %mul3A_441 : i32 to vector<16xi32>
        %mul3A_443 = arith.muli %gather3A_430, %mul3A_442 : vector<16xi32>
        %add3A_444 = arith.constant 0 : i32
        %add3A_445 = vector.broadcast %add3A_444 : i32 to vector<16xi32>
        %add3A_446 = arith.addi %mul3A_443, %add3A_445 : vector<16xi32>
        tpu.vector_store_idx %arg14[%add3A_440], %add3A_446 : memref<128xi32, #tpu.memory_space<vmem>>[vector<16xi32>], vector<16xi32>,
        %mul3A_447 = arith.constant 128 : i32
        %mul3A_448 = arith.muli %add3A_398, %mul3A_447 : i32
        %add3A_449 = arith.constant 32 : i32
        %add3A_450 = arith.addi %mul3A_448, %add3A_449 : i32
        %iota3A_451 = tpu.iota {dimensions = array<i32: 0>} : vector<16xi32>
        %add3A_452 = vector.broadcast %add3A_450 : i32 to vector<16xi32>
        %add3A_453 = arith.addi %add3A_452, %iota3A_451 : vector<16xi32>
        %gather3A_454 = tpu.vector_load_idx %arg9[%add3A_453] : memref<768xi32, #tpu.memory_space<vmem>>[vector<16xi32>], vector<16xi32>,
        %iota3A_455 = tpu.iota {dimensions = array<i32: 0>} : vector<16xi32>
        %add3A_456 = arith.constant 32 : i32
        %add3A_457 = vector.broadcast %add3A_456 : i32 to vector<16xi32>
        %add3A_458 = arith.addi %add3A_457, %iota3A_455 : vector<16xi32>
        %mul3A_459 = arith.constant 1 : i32
        %mul3A_460 = vector.broadcast %mul3A_459 : i32 to vector<16xi32>
        %mul3A_461 = arith.muli %add3A_458, %mul3A_460 : vector<16xi32>
        %add3A_462 = arith.constant 0 : i32
        %add3A_463 = vector.broadcast %add3A_462 : i32 to vector<16xi32>
        %add3A_464 = arith.addi %mul3A_461, %add3A_463 : vector<16xi32>
        %mul3A_465 = arith.constant 1 : i32
        %mul3A_466 = vector.broadcast %mul3A_465 : i32 to vector<16xi32>
        %mul3A_467 = arith.muli %gather3A_454, %mul3A_466 : vector<16xi32>
        %add3A_468 = arith.constant 0 : i32
        %add3A_469 = vector.broadcast %add3A_468 : i32 to vector<16xi32>
        %add3A_470 = arith.addi %mul3A_467, %add3A_469 : vector<16xi32>
        tpu.vector_store_idx %arg14[%add3A_464], %add3A_470 : memref<128xi32, #tpu.memory_space<vmem>>[vector<16xi32>], vector<16xi32>,
        %mul3A_471 = arith.constant 128 : i32
        %mul3A_472 = arith.muli %add3A_398, %mul3A_471 : i32
        %add3A_473 = arith.constant 48 : i32
        %add3A_474 = arith.addi %mul3A_472, %add3A_473 : i32
        %iota3A_475 = tpu.iota {dimensions = array<i32: 0>} : vector<16xi32>
        %add3A_476 = vector.broadcast %add3A_474 : i32 to vector<16xi32>
        %add3A_477 = arith.addi %add3A_476, %iota3A_475 : vector<16xi32>
        %gather3A_478 = tpu.vector_load_idx %arg9[%add3A_477] : memref<768xi32, #tpu.memory_space<vmem>>[vector<16xi32>], vector<16xi32>,
        %iota3A_479 = tpu.iota {dimensions = array<i32: 0>} : vector<16xi32>
        %add3A_480 = arith.constant 48 : i32
        %add3A_481 = vector.broadcast %add3A_480 : i32 to vector<16xi32>
        %add3A_482 = arith.addi %add3A_481, %iota3A_479 : vector<16xi32>
        %mul3A_483 = arith.constant 1 : i32
        %mul3A_484 = vector.broadcast %mul3A_483 : i32 to vector<16xi32>
        %mul3A_485 = arith.muli %add3A_482, %mul3A_484 : vector<16xi32>
        %add3A_486 = arith.constant 0 : i32
        %add3A_487 = vector.broadcast %add3A_486 : i32 to vector<16xi32>
        %add3A_488 = arith.addi %mul3A_485, %add3A_487 : vector<16xi32>
        %mul3A_489 = arith.constant 1 : i32
        %mul3A_490 = vector.broadcast %mul3A_489 : i32 to vector<16xi32>
        %mul3A_491 = arith.muli %gather3A_478, %mul3A_490 : vector<16xi32>
        %add3A_492 = arith.constant 0 : i32
        %add3A_493 = vector.broadcast %add3A_492 : i32 to vector<16xi32>
        %add3A_494 = arith.addi %mul3A_491, %add3A_493 : vector<16xi32>
        tpu.vector_store_idx %arg14[%add3A_488], %add3A_494 : memref<128xi32, #tpu.memory_space<vmem>>[vector<16xi32>], vector<16xi32>,
        %mul3A_495 = arith.constant 128 : i32
        %mul3A_496 = arith.muli %add3A_398, %mul3A_495 : i32
        %add3A_497 = arith.constant 64 : i32
        %add3A_498 = arith.addi %mul3A_496, %add3A_497 : i32
        %iota3A_499 = tpu.iota {dimensions = array<i32: 0>} : vector<16xi32>
        %add3A_500 = vector.broadcast %add3A_498 : i32 to vector<16xi32>
        %add3A_501 = arith.addi %add3A_500, %iota3A_499 : vector<16xi32>
        %gather3A_502 = tpu.vector_load_idx %arg9[%add3A_501] : memref<768xi32, #tpu.memory_space<vmem>>[vector<16xi32>], vector<16xi32>,
        %iota3A_503 = tpu.iota {dimensions = array<i32: 0>} : vector<16xi32>
        %add3A_504 = arith.constant 64 : i32
        %add3A_505 = vector.broadcast %add3A_504 : i32 to vector<16xi32>
        %add3A_506 = arith.addi %add3A_505, %iota3A_503 : vector<16xi32>
        %mul3A_507 = arith.constant 1 : i32
        %mul3A_508 = vector.broadcast %mul3A_507 : i32 to vector<16xi32>
        %mul3A_509 = arith.muli %add3A_506, %mul3A_508 : vector<16xi32>
        %add3A_510 = arith.constant 0 : i32
        %add3A_511 = vector.broadcast %add3A_510 : i32 to vector<16xi32>
        %add3A_512 = arith.addi %mul3A_509, %add3A_511 : vector<16xi32>
        %mul3A_513 = arith.constant 1 : i32
        %mul3A_514 = vector.broadcast %mul3A_513 : i32 to vector<16xi32>
        %mul3A_515 = arith.muli %gather3A_502, %mul3A_514 : vector<16xi32>
        %add3A_516 = arith.constant 0 : i32
        %add3A_517 = vector.broadcast %add3A_516 : i32 to vector<16xi32>
        %add3A_518 = arith.addi %mul3A_515, %add3A_517 : vector<16xi32>
        tpu.vector_store_idx %arg14[%add3A_512], %add3A_518 : memref<128xi32, #tpu.memory_space<vmem>>[vector<16xi32>], vector<16xi32>,
        %mul3A_519 = arith.constant 128 : i32
        %mul3A_520 = arith.muli %add3A_398, %mul3A_519 : i32
        %add3A_521 = arith.constant 80 : i32
        %add3A_522 = arith.addi %mul3A_520, %add3A_521 : i32
        %iota3A_523 = tpu.iota {dimensions = array<i32: 0>} : vector<16xi32>
        %add3A_524 = vector.broadcast %add3A_522 : i32 to vector<16xi32>
        %add3A_525 = arith.addi %add3A_524, %iota3A_523 : vector<16xi32>
        %gather3A_526 = tpu.vector_load_idx %arg9[%add3A_525] : memref<768xi32, #tpu.memory_space<vmem>>[vector<16xi32>], vector<16xi32>,
        %iota3A_527 = tpu.iota {dimensions = array<i32: 0>} : vector<16xi32>
        %add3A_528 = arith.constant 80 : i32
        %add3A_529 = vector.broadcast %add3A_528 : i32 to vector<16xi32>
        %add3A_530 = arith.addi %add3A_529, %iota3A_527 : vector<16xi32>
        %mul3A_531 = arith.constant 1 : i32
        %mul3A_532 = vector.broadcast %mul3A_531 : i32 to vector<16xi32>
        %mul3A_533 = arith.muli %add3A_530, %mul3A_532 : vector<16xi32>
        %add3A_534 = arith.constant 0 : i32
        %add3A_535 = vector.broadcast %add3A_534 : i32 to vector<16xi32>
        %add3A_536 = arith.addi %mul3A_533, %add3A_535 : vector<16xi32>
        %mul3A_537 = arith.constant 1 : i32
        %mul3A_538 = vector.broadcast %mul3A_537 : i32 to vector<16xi32>
        %mul3A_539 = arith.muli %gather3A_526, %mul3A_538 : vector<16xi32>
        %add3A_540 = arith.constant 0 : i32
        %add3A_541 = vector.broadcast %add3A_540 : i32 to vector<16xi32>
        %add3A_542 = arith.addi %mul3A_539, %add3A_541 : vector<16xi32>
        tpu.vector_store_idx %arg14[%add3A_536], %add3A_542 : memref<128xi32, #tpu.memory_space<vmem>>[vector<16xi32>], vector<16xi32>,
        %mul3A_543 = arith.constant 128 : i32
        %mul3A_544 = arith.muli %add3A_398, %mul3A_543 : i32
        %add3A_545 = arith.constant 96 : i32
        %add3A_546 = arith.addi %mul3A_544, %add3A_545 : i32
        %iota3A_547 = tpu.iota {dimensions = array<i32: 0>} : vector<16xi32>
        %add3A_548 = vector.broadcast %add3A_546 : i32 to vector<16xi32>
        %add3A_549 = arith.addi %add3A_548, %iota3A_547 : vector<16xi32>
        %gather3A_550 = tpu.vector_load_idx %arg9[%add3A_549] : memref<768xi32, #tpu.memory_space<vmem>>[vector<16xi32>], vector<16xi32>,
        %iota3A_551 = tpu.iota {dimensions = array<i32: 0>} : vector<16xi32>
        %add3A_552 = arith.constant 96 : i32
        %add3A_553 = vector.broadcast %add3A_552 : i32 to vector<16xi32>
        %add3A_554 = arith.addi %add3A_553, %iota3A_551 : vector<16xi32>
        %mul3A_555 = arith.constant 1 : i32
        %mul3A_556 = vector.broadcast %mul3A_555 : i32 to vector<16xi32>
        %mul3A_557 = arith.muli %add3A_554, %mul3A_556 : vector<16xi32>
        %add3A_558 = arith.constant 0 : i32
        %add3A_559 = vector.broadcast %add3A_558 : i32 to vector<16xi32>
        %add3A_560 = arith.addi %mul3A_557, %add3A_559 : vector<16xi32>
        %mul3A_561 = arith.constant 1 : i32
        %mul3A_562 = vector.broadcast %mul3A_561 : i32 to vector<16xi32>
        %mul3A_563 = arith.muli %gather3A_550, %mul3A_562 : vector<16xi32>
        %add3A_564 = arith.constant 0 : i32
        %add3A_565 = vector.broadcast %add3A_564 : i32 to vector<16xi32>
        %add3A_566 = arith.addi %mul3A_563, %add3A_565 : vector<16xi32>
        tpu.vector_store_idx %arg14[%add3A_560], %add3A_566 : memref<128xi32, #tpu.memory_space<vmem>>[vector<16xi32>], vector<16xi32>,
        %mul3A_567 = arith.constant 128 : i32
        %mul3A_568 = arith.muli %add3A_398, %mul3A_567 : i32
        %add3A_569 = arith.constant 112 : i32
        %add3A_570 = arith.addi %mul3A_568, %add3A_569 : i32
        %iota3A_571 = tpu.iota {dimensions = array<i32: 0>} : vector<16xi32>
        %add3A_572 = vector.broadcast %add3A_570 : i32 to vector<16xi32>
        %add3A_573 = arith.addi %add3A_572, %iota3A_571 : vector<16xi32>
        %gather3A_574 = tpu.vector_load_idx %arg9[%add3A_573] : memref<768xi32, #tpu.memory_space<vmem>>[vector<16xi32>], vector<16xi32>,
        %iota3A_575 = tpu.iota {dimensions = array<i32: 0>} : vector<16xi32>
        %add3A_576 = arith.constant 112 : i32
        %add3A_577 = vector.broadcast %add3A_576 : i32 to vector<16xi32>
        %add3A_578 = arith.addi %add3A_577, %iota3A_575 : vector<16xi32>
        %mul3A_579 = arith.constant 1 : i32
        %mul3A_580 = vector.broadcast %mul3A_579 : i32 to vector<16xi32>
        %mul3A_581 = arith.muli %add3A_578, %mul3A_580 : vector<16xi32>
        %add3A_582 = arith.constant 0 : i32
        %add3A_583 = vector.broadcast %add3A_582 : i32 to vector<16xi32>
        %add3A_584 = arith.addi %mul3A_581, %add3A_583 : vector<16xi32>
        %mul3A_585 = arith.constant 1 : i32
        %mul3A_586 = vector.broadcast %mul3A_585 : i32 to vector<16xi32>
        %mul3A_587 = arith.muli %gather3A_574, %mul3A_586 : vector<16xi32>
        %add3A_588 = arith.constant 0 : i32
        %add3A_589 = vector.broadcast %add3A_588 : i32 to vector<16xi32>
        %add3A_590 = arith.addi %mul3A_587, %add3A_589 : vector<16xi32>
        tpu.vector_store_idx %arg14[%add3A_584], %add3A_590 : memref<128xi32, #tpu.memory_space<vmem>>[vector<16xi32>], vector<16xi32>,
        "tpu.region"() ({
          %run_scoped3A = tpu.sem_alloc : memref<!tpu.dma_semaphore, #tpu.memory_space<semaphore_mem>>
          %dma_start3A = arith.constant 0 : i32
          %dma_start3A_592 = arith.constant 0 : i32
          %dma_start3A_593 = tpu.memref_slice %arg17[%dma_start3A, %dma_start3A_592] : memref<5248x128xf32, #tpu.memory_space<vmem_shared>> -> memref<5248x128xf32, #tpu.memory_space<vmem_shared>>
          tpu.enqueue_indirect_dma source(%arg15 : memref<128x128xf32, #tpu.memory_space<vmem>>) target(%dma_start3A_593 : memref<5248x128xf32, #tpu.memory_space<vmem_shared>>) offsets(%arg12 : memref<128xi32, #tpu.memory_space<vmem>>) semaphore(%run_scoped3A : memref<!tpu.dma_semaphore, #tpu.memory_space<semaphore_mem>>) {add = true}
          %dma_wait3A = arith.constant 0 : i32
          %dma_wait3A_594 = arith.constant 0 : i32
          %dma_wait3A_595 = tpu.memref_slice %arg17[%dma_wait3A, %dma_wait3A_594] : memref<5248x128xf32, #tpu.memory_space<vmem_shared>> -> memref<5248x128xf32, #tpu.memory_space<vmem_shared>>
          tpu.wait_indirect_dma semaphore(%run_scoped3A : memref<!tpu.dma_semaphore, #tpu.memory_space<semaphore_mem>>) src(%arg15 : memref<128x128xf32, #tpu.memory_space<vmem>>) dst(%dma_wait3A_595 : memref<5248x128xf32, #tpu.memory_space<vmem_shared>>)
          tpu.yield
        }) : () -> ()
        "tpu.region"() ({
          %run_scoped3A = tpu.sem_alloc : memref<!tpu.dma_semaphore, #tpu.memory_space<semaphore_mem>>
          %dma_start3A = arith.constant 0 : i32
          %dma_start3A_592 = arith.constant 0 : i32
          %dma_start3A_593 = tpu.memref_slice %arg17[%dma_start3A, %dma_start3A_592] : memref<5248x128xf32, #tpu.memory_space<vmem_shared>> -> memref<5248x128xf32, #tpu.memory_space<vmem_shared>>
          tpu.enqueue_indirect_dma source(%arg16 : memref<128x128xf32, #tpu.memory_space<vmem>>) target(%dma_start3A_593 : memref<5248x128xf32, #tpu.memory_space<vmem_shared>>) offsets(%arg14 : memref<128xi32, #tpu.memory_space<vmem>>) semaphore(%run_scoped3A : memref<!tpu.dma_semaphore, #tpu.memory_space<semaphore_mem>>) {add = true}
          %dma_wait3A = arith.constant 0 : i32
          %dma_wait3A_594 = arith.constant 0 : i32
          %dma_wait3A_595 = tpu.memref_slice %arg17[%dma_wait3A, %dma_wait3A_594] : memref<5248x128xf32, #tpu.memory_space<vmem_shared>> -> memref<5248x128xf32, #tpu.memory_space<vmem_shared>>
          tpu.wait_indirect_dma semaphore(%run_scoped3A : memref<!tpu.dma_semaphore, #tpu.memory_space<semaphore_mem>>) src(%arg16 : memref<128x128xf32, #tpu.memory_space<vmem>>) dst(%dma_wait3A_595 : memref<5248x128xf32, #tpu.memory_space<vmem_shared>>)
          tpu.yield
        }) : () -> ()
        %while3A_591 = arith.constant 0 : i32
        scf.yield %while3A_591 : i32
      }
      %scan3A_199 = arith.constant 0 : i32
      scf.yield %scan3A_199 : i32
    }
    %scan3A_11 = arith.constant 11 : i32
    %barrier3A_12 = arith.constant 0 : index
    tpu.barrier barrier_id(%barrier3A_12)
    %mul3A_13 = arith.constant 320 : i32
    %mul3A_14 = arith.muli %arg1, %mul3A_13 : i32
    %mul3A_15 = arith.constant 1 : i32
    %mul3A_16 = arith.muli %add3A_3, %mul3A_15 : i32
    %mul3A_17 = arith.constant 320 : i32
    %mul3A_18 = arith.muli %arg1, %mul3A_17 : i32
    %add3A_19 = arith.addi %mul3A_16, %mul3A_18 : i32
    "tpu.region"() ({
      %run_scoped3A = tpu.sem_alloc : memref<!tpu.dma_semaphore, #tpu.memory_space<semaphore_mem>>
      %dma_start3A = arith.constant 0 : i32
      %dma_start3A_20 = tpu.memref_slice %arg6[%add3A_19, %dma_start3A] : memref<10240x128xf32, #tpu.memory_space<hbm>> -> memref<320x128xf32, #tpu.memory_space<hbm>>
      %dma_start3A_21 = arith.constant 0 : i32
      %dma_start3A_22 = tpu.memref_slice %arg17[%mul3A_14, %dma_start3A_21] : memref<5248x128xf32, #tpu.memory_space<vmem_shared>> -> memref<320x128xf32, #tpu.memory_space<vmem_shared>>
      tpu.enqueue_dma source(%dma_start3A_22 : memref<320x128xf32, #tpu.memory_space<vmem_shared>>) target(%dma_start3A_20 : memref<320x128xf32, #tpu.memory_space<hbm>>) target_semaphore(%run_scoped3A : memref<!tpu.dma_semaphore, #tpu.memory_space<semaphore_mem>>)
      %dma_wait3A = arith.constant 0 : i32
      %dma_wait3A_23 = tpu.memref_slice %arg6[%add3A_19, %dma_wait3A] : memref<10240x128xf32, #tpu.memory_space<hbm>> -> memref<320x128xf32, #tpu.memory_space<hbm>>
      %dma_wait3A_24 = arith.constant 0 : i32
      %dma_wait3A_25 = tpu.memref_slice %arg17[%mul3A_14, %dma_wait3A_24] : memref<5248x128xf32, #tpu.memory_space<vmem_shared>> -> memref<320x128xf32, #tpu.memory_space<vmem_shared>>
      tpu.wait_dma2 semaphore(%run_scoped3A : memref<!tpu.dma_semaphore, #tpu.memory_space<semaphore_mem>>) src(%dma_wait3A_25 : memref<320x128xf32, #tpu.memory_space<vmem_shared>>) dst(%dma_wait3A_23 : memref<320x128xf32, #tpu.memory_space<hbm>>)
      tpu.yield
    }) : () -> ()
    return
  }
}

</mosaic_0001>

<sc_bundles>
// kernel: sc_gsa.3.cloned.1.call-start
scs
__scs_entry_jumppad:
0x0: {  	(pc) =	sbr.rel $0x88, $3  }
0x1: {  	(tag) =	ssettag $0x0;
	lr =	simm.s32 $0x1  }
0x2: {  	[smem:$0x3F9E] =	sst lr;
	_ =	strace $0xD0000000  }
0x3: {  	_ = 	snop  }
0x4: {  	_ = 	snop  }
0x5: {  	_ = 	snop  }
0x6: {  	_ = 	snop  }
0x7: {  	_ = 	snop  }
__scs_overlays_trampoline_lowered:
0x8: {  	[smem:$0x3FAD] =	sst s0  }
0x9: {  	[smem:$0x3FAE] =	sst s1  }
0xa: {  	[smem:$0x3FAF] =	sst s2  }
0xb: {  	[smem:$0x3FB0] =	sst s3  }
0xc: {  	[smem:$0x3FB1] =	sst s4  }
0xd: {  	[smem:$0x3FB2] =	sst s5  }
0xe: {  	[smem:$0x3FB3] =	sst s6  }
0xf: {  	[smem:$0x3FB4] =	sst s7  }
0x10: {  	[smem:$0x3FB5] =	sst s8  }
0x11: {  	[smem:$0x3FB6] =	sst s9;
	s0 =	simm.s32 @!p0 $0x0  }
0x12: {  	s1 =	sld [smem:$0x3F9C];
	s0 =	simm.s32 @p0 $0x1  }
0x13: {  	[smem:$0x3FB7] =	sst s0;
	s0 =	simm.s32 @!p1 $0x0  }
0x14: {  	s2 =	sld [smem:$0x3F9B];
	s0 =	simm.s32 @p1 $0x1  }
0x15: {  	[smem:$0x3FB8] =	sst s0;
	s0 =	simm.s32 @!p2 $0x0  }
0x16: {  	s3 =	sld [smem:$0x3FDB];
	s0 =	simm.s32 @p2 $0x1  }
0x17: {  	s4 =	simm.s32 $0x1BF5;
	[smem:$0x3FBA] =	sst s0  }
0x18: {  	s0 =	sld [smem:$0x3F9D];
	_ =	swait.ge [sflag:s4], $0x0  }
0x19: {  	s7 =	sld [smem:$0x3F9E]  }
0x1a: {  	s8 =	sadd.s32 $0xFFFFE003, lr  }
0x1b: {  	s9 =	sadd.s32 $0xFFFFFEF7, lr;
	s5 =	simm.s32 $0xFFFFFFFF;
	p2 =	slt.u32 s8, $0xFFFFF086  }
0x1c: {  	p1 =	slt.u32 s9, $0xF7A;
	s5 =	simm.s32 @!p2 $0x0  }
0x1d: {  	s5 =	simm.s32 @p1 $0x1;
	p0 =	seq.s32 s7, s2  }
0x1e: {  	s7 =	smul.u32 @!p0 $0xF7A, s2;
	p2 =	seq.s32 @!p0 s5, $0x0  }
0x1f: {  	s9 =	smul.u32 $0xF7A, s1;
	s8 =	simm.s32 @!p0 $0x1BF5;
	p2 =	por !p2, p0  }
0x20: {  	[sflag:s8] =	ssyncset.s32 @!p0 $0xFFFFF086;
	s6 =	sadd.s32 @!p0 s3, s7;
	s7 =	simm.s32 @!p0 $0x108  }
0x21: {  	s3 =	sadd.s32 s3, s9;
	s6 =	sadd.s32 @!p0 $0x88, s6;
	s7 =	simm.s32 @p2 $0x1082  }
0x22: {  	[simem:s7], [sflag:s8] =	dma.local @!p0 [hbm:s6], $0xF7A  }
0x23: {  	s9 =	sor.u32 $0xD0000000, s2;
	s6 =	simm.s32 $0x108;
	_ =	swait.ge @!p0 [sflag:s8], $0x0  }
0x24: {  	s3 =	sadd.s32 $0x88, s3;
	s6 =	simm.s32 @!p1 $0x1082;
	[sflag:s4] =	ssyncset.s32 $0xFFFFF086  }
0x25: {  	[simem:s6], [sflag:s4] =	dma.local [hbm:s3], $0xF7A  }
0x26: {  	[smem:$0x3F9E] =	sst s1;
	(tag) =	ssettag s2;
	_ =	strace s9  }
0x27: {  	s1 =	sld [smem:$0x3FAE]  }
0x28: {  	s2 =	sld [smem:$0x3FAF]  }
0x29: {  	s4 =	sld [smem:$0x3FB1]  }
0x2a: {  	p0 =	seq.s32 s5, $0x0;
	s5 =	sld [smem:$0x3FB2]  }
0x2b: {  	s6 =	sld [smem:$0x3FB3]  }
0x2c: {  	s7 =	sld [smem:$0x3FB4]  }
0x2d: {  	s3 =	simm.s32 $0x108;
	s8 =	sld [smem:$0x3FB5]  }
0x2e: {  	s3 =	simm.s32 @!p0 $0x1082;
	s9 =	sld [smem:$0x3FB6]  }
0x2f: {  	lr =	sadd.s32 s0, s3;
	s0 =	sld [smem:$0x3FAD]  }
0x30: {  	s3 =	sld [smem:$0x3FB0]  }
0x31: {  	[smem:$0x3FB9] =	sst s10  }
0x32: {  	s10 =	sld [smem:$0x3FB7];
	_ =	sdelay $0x3  }
0x33: {  	p0 =	seq.s32 s10, $0x1;
	s10 =	sld [smem:$0x3FB9];
	_ =	sdelay $0x3  }
0x34: {  	[smem:$0x3FB9] =	sst s10  }
0x35: {  	s10 =	sld [smem:$0x3FB8];
	_ =	sdelay $0x3  }
0x36: {  	p1 =	seq.s32 s10, $0x1;
	s10 =	sld [smem:$0x3FB9];
	_ =	sdelay $0x3  }
0x37: {  	[smem:$0x3FB9] =	sst s10  }
0x38: {  	s10 =	sld [smem:$0x3FBA]  }
0x39: {  	_ = 	snop;
	(pc) =	sbr.ind lr, $3  }
0x3a: {  	_ = 	snop  }
0x3b: {  	_ = 	snop  }
0x3c: {  	p2 =	seq.s32 s10, $0x1;
	s10 =	sld [smem:$0x3FB9]  }
0x3d: {  	_ =	shalt  }
0x3e: {  	_ =	shalt  }
0x3f: {  	_ =	shalt  }
0x40: {  	_ =	shalt  }
0x41: {  	_ =	shalt  }
0x42: {  	_ =	shalt  }
0x43: {  	_ =	shalt  }
0x44: {  	_ =	shalt  }
0x45: {  	_ =	shalt  }
0x46: {  	_ =	shalt  }
0x47: {  	_ =	shalt  }
0x48: {  	_ =	shalt  }
0x49: {  	_ =	shalt  }
0x4a: {  	_ =	shalt  }
0x4b: {  	_ =	shalt  }
0x4c: {  	_ =	shalt  }
0x4d: {  	_ =	shalt  }
0x4e: {  	_ =	shalt  }
0x4f: {  	_ =	shalt  }
0x50: {  	_ =	shalt  }
0x51: {  	_ =	shalt  }
0x52: {  	_ =	shalt  }
0x53: {  	_ =	shalt  }
0x54: {  	_ =	shalt  }
0x55: {  	_ =	shalt  }
0x56: {  	_ =	shalt  }
0x57: {  	_ =	shalt  }
0x58: {  	_ =	shalt  }
0x59: {  	_ =	shalt  }
0x5a: {  	_ =	shalt  }
0x5b: {  	_ =	shalt  }
0x5c: {  	_ =	shalt  }
0x5d: {  	_ =	shalt  }
0x5e: {  	_ =	shalt  }
0x5f: {  	_ =	shalt  }
0x60: {  	_ =	shalt  }
0x61: {  	_ =	shalt  }
0x62: {  	_ =	shalt  }
0x63: {  	_ =	shalt  }
0x64: {  	_ =	shalt  }
0x65: {  	_ =	shalt  }
0x66: {  	_ =	shalt  }
0x67: {  	_ =	shalt  }
0x68: {  	_ =	shalt  }
0x69: {  	_ =	shalt  }
0x6a: {  	_ =	shalt  }
0x6b: {  	_ =	shalt  }
0x6c: {  	_ =	shalt  }
0x6d: {  	_ =	shalt  }
0x6e: {  	_ =	shalt  }
0x6f: {  	_ =	shalt  }
0x70: {  	_ =	shalt  }
0x71: {  	_ =	shalt  }
0x72: {  	_ =	shalt  }
0x73: {  	_ =	shalt  }
0x74: {  	_ =	shalt  }
0x75: {  	_ =	shalt  }
0x76: {  	_ =	shalt  }
0x77: {  	_ =	shalt  }
0x78: {  	_ =	shalt  }
0x79: {  	_ =	shalt  }
0x7a: {  	_ =	shalt  }
0x7b: {  	_ =	shalt  }
0x7c: {  	_ =	shalt  }
0x7d: {  	_ =	shalt  }
0x7e: {  	_ =	shalt  }
0x7f: {  	_ =	shalt  }
0x80: {  	_ =	shalt  }
0x81: {  	_ =	shalt  }
0x82: {  	_ =	shalt  }
0x83: {  	_ =	shalt  }
0x84: {  	_ =	shalt  }
0x85: {  	_ =	shalt  }
0x86: {  	_ =	shalt  }
0x87: {  	_ =	shalt  }
.Lfunc_end0:
.L_simem_size_0:
called_computation_lowered:
.L_overlay_start_0:
0x88: {  	s2 =	sld [smem:$0x3FD9]  }
0x89: {  	s3 =	sld [smem:$0x3FFE];
	_ =	sdelay $0x1  }
0x8a: {  	s1 =	srdreg.scid  }
0x8b: {  	s0 =	sand.u32 $0x1, s1  }
0x8c: {  	s17 =	sshll.u32 s0, $0xA;
	s2 =	sadd.s32 s3, s2  }
0x8d: {  	s2 =	sadd.s32 s2, s17  }
0x8e: {  	[smem:$0x3FC5] =	sst s2  }
0x8f: {  	_ = 	snop  }
0x90: {  	s2 =	sld [smem:$0x3FC8]  }
0x91: {  	s18 =	sld [smem:$0x3FD0];
	(tm) =	ssettm $0x1  }
0x92: {  	s4 =	sld [smem:$0x3FFB];
	_ =	sdelay $0x3  }
0x93: {  	_ =	strace s4  }
0x94: {  	s4 =	sld [smem:$0x3FFC];
	_ =	sdelay $0x3  }
0x95: {  	_ =	strace s4  }
0x96: {  	s4 =	sld [smem:$0x3FFD];
	_ =	sdelay $0x3  }
0x97: {  	_ =	strace s4  }
0x98: {  	_ =	strace $0x8FFFFFFF  }
0x99: {  	s19 =	sld [smem:$0x3FDB];
	_ =	sdelay $0x1  }
0x9a: {  	s5 =	simm.s32 $_scs_section_size  }
0x9b: {  	s6 =	simm.s32 $_size__tile_overlayer_lowered;
	s7 =	simm.s32 $_tile_overlayer_lowered  }
0x9c: {  	s22 =	simm.s32 $0x1BFF;
	s21 =	sshll.u32 s7, $0x1;
	s4 =	sadd.s32 s5, s19  }
0x9d: {  	s8 =	simm.s32 $0x0;
	s20 =	sshll.u32 s6, $0x1;
	s6 =	sadd.s32 s21, s4  }
0x9e: {  	[timem:s8], [sflag:s22] =	dma.local [hbm:s6], s20  }
0x9f: {  	_ =	swait.ge [sflag:s22], s20  }
0xa0: {  	s5 =	ssub.s32 $0x0, s20;
	[sflag:s22] =	ssyncset.done $0x0  }
0xa1: {  	[sflag:s22] =	ssyncadd.s32 s5;
	_ =	sdelay $0x1  }
0xa2: {  	s23 =	simm.s32 $0x1B8B  }
0xa3: {  	_ =	swait.ge [sflag:s23], $0x1  }
0xa4: {  	[sflag:s23] =	ssyncset.done $0x0  }
0xa5: {  	s25 =	simm.s32 $0x1B8E;
	s24 =	sld [smem:$0x3FFE];
	[sflag:s23] =	ssyncadd.s32 $0xFFFFFFFF  }
0xa6: {  	s26 =	simm.s32 $execute0_lowered;
	[smem:$0x3FD2] =	sst s25  }
0xa7: {  	s6 =	sshll.u32 s26, $0x1;
	_ =	strace $0x80000046;
	[dreg:$0x1] =	wrdreg $0xFFFFFFFF  }
0xa8: {  	s28 =	simm.s32 $_size_execute0_lowered;
	s4 =	sadd.s32 s4, s6;
	[dreg:$0x0] =	wrdreg $0x0  }
0xa9: {  	s6 =	sshll.u32 s28, $0x1;
	[dreg:$0x2] =	wrdreg s4  }
0xaa: {  	[dreg:$0x3] =	wrdreg s6  }
0xab: {  	[dreg:$0x4] =	wrdreg $0xC0  }
0xac: {  	_ =	task [dreg:s8], $0x5FFFF  }
0xad: {  	[dreg:$0x1] =	wrdreg $0xFFFFFFFF  }
0xae: {  	[dreg:$0x0] =	wrdreg $0x60  }
0xaf: {  	[dreg:$0x2] =	wrdreg s2  }
0xb0: {  	[dreg:$0x3] =	wrdreg s24  }
0xb1: {  	[dreg:$0x4] =	wrdreg s18  }
0xb2: {  	[dreg:$0x5] =	wrdreg $0x86000  }
0xb3: {  	[dreg:$0x6] =	wrdreg $0x9  }
0xb4: {  	_ =	task.clear_ibuf [dreg:s8], $0x7FFFF;
	_ =	strace $0x90000046  }
0xb5: {  	s29 =	simm.s32 $0x9;
	_ =	strace $0x80000048  }
0xb6: {  	_ =	swait.ge [sflag:s29], $0x1  }
0xb7: {  	[sflag:s29] =	ssyncadd.s32 $0xFFFFFFFF  }
0xb8: {  	_ =	strace $0x90000048  }
0xb9: {  	_ =	sfence  }
0xba: {  	s30 =	sld [smem:$0x0];
	_ =	sdelay $0x2  }
0xbb: {  	s31 =	sshll.u32 s1, $0xD;
	s1 =	sshrl.u32 s1, $0x2  }
0xbc: {  	s3 =	sand.u32 $0x4000, s31;
	s1 =	sadd.s32 s1, s30  }
0xbd: {  	s0 =	sor.u32 s3, s0;
	s1 =	sshll.u32 s1, $0x11  }
0xbe: {  	s0 =	sor.u32 s1, s0  }
0xbf: {  	s0 =	sadd.s32 $0x8F2B, s0  }
0xc0: {  	[sflag:s0] =	ssyncadd.remote.s32 $0x1  }
0xc1: {  	_ =	sfence.sel $0xFFFF  }
0xc2: {  	[dreg:$0x0] =	wrdreg $0xFFFFFFFF;
	(pc) =	sbr.abs _section_cstart, $3  }
0xc3: {  	[dreg:$0x1] =	wrdreg $0xFFFFFFFF  }
0xc4: {  	_ =	task.clear_ibuf [dreg:s8], $0x2FFFF;
	_ =	strace $0x9FFFFFFF  }
0xc5: {  	(tm) =	ssettm $0x7FFFFFFF  }
tec
execute0_lowered:
.L_overlay_start_1:
0x0: {  	(tag) =	ssettag $0x1  }
0x1: {  	s1 =	rddreg [dreg:$0x0]  }
0x2: {  	s7 =	rddreg [dreg:$0x1]  }
0x3: {  	s8 =	rddreg [dreg:$0x2];
	s2 =	srdreg.scid  }
0x4: {  	s0 =	stileid.u32;
	s3 =	rddreg [dreg:$0x3]  }
0x5: {  	s5 =	simm.s32 $0x0;
	s15 =	simm.s32 $0x200;
	s4 =	smul.u32 $0x1600, s0  }
0x6: {  	s16 =	simm.s32 $0x500;
	s17 =	simm.s32 $0x580;
	s11 =	smul.u32 $0x29000, s0  }
0x7: {  	s18 =	simm.s32 $0x80;
	s20 =	simm.s32 $0x0;
	s13 =	smul.u32 $0x140, s0  }
0x8: {  	s6 =	sand.u32 $0x1, s2;
	s2 =	rddreg [dreg:$0x4];
	s28 =	smul.u32 $0x28000, s0  }
0x9: {  	[smem:$0x7FF] =	sst s5;
	s31 =	sshll.u32 s0, $0x6;
	s9 =	smul.u32 $0x1400, s6  }
0xa: {  	s10 =	ssub.s32 $0x2, s6;
	_ =	strace $0x80000047;
	s6 =	sadd.s32 $0x400, s7  }
0xb: {  	s7 =	sadd.s32 $0x1880, s7;
	s12 =	sshrl.u32 s10, $0x1;
	s11 =	sshrl.u32 s11, $0x2  }
.Ltmp0:
0xc: {  	v1 =	vlaneseq.u32;
	s29 =	sshrl.u32 s28, $0x2;
	s10 =	ssub.s32 s10, s12;
	(pc) =	sbr.rel .LBB2_1-.Ltmp0, $4  }
0xd: {  	v2 =	vimm.s32 $0x0;
	vm0 =	vcmask $0x300;
	v3 =	vimm.s32 $0x1400;
	s13 =	sadd.s32 s13, s9;
	s14 =	sadd.s32 s11, s3;
	s19 =	sadd.s32 s29, s3  }
0xe: {  	v4 =	vsel vm0, $0x7, v2;
	v5 =	vor.u32 $0x10, v1;
	v6 =	vor.u32 $0x20, v1;
	s11 =	simm.s32 $0x1;
	s12 =	simm.s32 $0x4600;
	s30 =	sshll.u32 s13, $0x4  }
0xf: {  	v7 =	vor.u32 $0x30, v1;
	v8 =	vor.u32 $0x40, v1;
	v0 =	vmov s9;
	s9 =	smax.u32 s10, $0x1;
	s10 =	simm.s32 $0x600;
	s13 =	sor.u32 $0x1C01, s31  }
0x10: {  	v9 =	vor.u32 $0x50, v1;
	v10 =	vor.u32 $0x60, v1;
	v11 =	vor.u32 $0x70, v1;
	s14 =	sshrl.u32 s14, $0x3;
	s19 =	sshrl.u32 s19, $0x3;
	s8 =	sadd.s32 s8, s30  }
.LBB2_10:
0x11: {  	s20 =	sadd.s32 $0x1, s20  }
0x12: {  	p0 =	sne.s32 s20, s9  }
.Ltmp1:
0x13: {  	[bflag:$0x0] =	sbarrier.arrive $0xFFFF;
	(pc) =	sbr.rel @!p0 .LBB2_11-.Ltmp1, $4  }
0x14: {  	[hbm:s8], [sflag:s13] =	dma.local [spmem:s19], $0x1400  }
0x15: {  	_ =	swait.ge [sflag:s11], $0x1400  }
0x16: {  	[sflag:s11] =	ssyncset.done $0x0  }
0x17: {  	[sflag:s11] =	ssyncadd.s32 $0xFFFFEC00  }
.LBB2_1:
0x18: {  	[tilespmem:s10], [sflag:$0x1] =	stream.linear.gather [hbm4b:s7+s5], $0x4000, $0x38;
	[tilespmem:$0x12A00] =	vst v63  }
0x19: {  	_ =	swait.ge [sflag:s11], $0x4000  }
0x1a: {  	[sflag:s11] =	ssyncset.done $0x0  }
0x1b: {  	[sflag:s11] =	ssyncadd.s32 $0xFFFFC000  }
0x1c: {  	[tilespmem:s12], [sflag:$0x1] =	stream.linear.gather [hbm4b:s7+s5], $0x4000, $0x38;
	[tilespmem:$0x12A00] =	vst v63  }
0x1d: {  	_ =	swait.ge [sflag:s11], $0x4000  }
0x1e: {  	[sflag:s11] =	ssyncset.done $0x0  }
0x1f: {  	[sflag:s11] =	ssyncadd.s32 $0xFFFFC000  }
0x20: {  	[spmem:s14], [sflag:s13] =	dma.local [hbm:s6], $0x1480  }
.Ltmp2:
0x21: {  	_ =	swait.ge [sflag:s11], $0x1480;
	(pc) =	sbr.rel .LBB2_2-.Ltmp2, $4  }
0x22: {  	[sflag:s11] =	ssyncset.done $0x0  }
0x23: {  	[sflag:s11] =	ssyncadd.s32 $0xFFFFEB80  }
0x24: {  	[bflag:$0x0] =	sbarrier.arrive $0xFFFF  }
0x25: {  	s21 =	simm.s32 $0x0  }
.LBB2_8:
0x26: {  	_ =	sdelay $0x2  }
0x27: {  	[sflag:s11] =	ssyncadd.s32 @p0 $0xFFFFC000  }
0x28: {  	v13 =	vld.idx.msk [tilespmem:v13+s15+$0x0], $0xffff  }
0x29: {  	v14 =	vor.u32 v5, v12;
	_ =	sdelay $0x3  }
0x2a: {  	[tilespmem:v1+s16+$0x0] =	vst.idx.msk $0xffff, v13  }
0x2b: {  	v13 =	vld.idx.msk [tilespmem:v14+s15+$0x0], $0xffff  }
0x2c: {  	v42 =	vor.u32 v6, v12;
	_ =	sdelay $0x3  }
0x2d: {  	[tilespmem:v5+s16+$0x0] =	vst.idx.msk $0xffff, v13  }
0x2e: {  	v13 =	vld.idx.msk [tilespmem:v42+s15+$0x0], $0xffff  }
0x2f: {  	v43 =	vor.u32 v7, v12;
	_ =	sdelay $0x3  }
0x30: {  	[tilespmem:v6+s16+$0x0] =	vst.idx.msk $0xffff, v13  }
0x31: {  	v13 =	vld.idx.msk [tilespmem:v43+s15+$0x0], $0xffff  }
0x32: {  	v44 =	vor.u32 v8, v12;
	_ =	sdelay $0x3  }
0x33: {  	[tilespmem:v7+s16+$0x0] =	vst.idx.msk $0xffff, v13  }
0x34: {  	v13 =	vld.idx.msk [tilespmem:v44+s15+$0x0], $0xffff  }
0x35: {  	v45 =	vor.u32 v9, v12;
	_ =	sdelay $0x3  }
0x36: {  	[tilespmem:v8+s16+$0x0] =	vst.idx.msk $0xffff, v13  }
0x37: {  	v13 =	vld.idx.msk [tilespmem:v45+s15+$0x0], $0xffff  }
0x38: {  	v46 =	vor.u32 v10, v12;
	_ =	sdelay $0x3  }
0x39: {  	[tilespmem:v9+s16+$0x0] =	vst.idx.msk $0xffff, v13  }
0x3a: {  	v13 =	vld.idx.msk [tilespmem:v46+s15+$0x0], $0xffff  }
0x3b: {  	v47 =	vor.u32 v11, v12  }
0x3c: {  	v48 =	vmov s22  }
0x3d: {  	v14 =	vshrl.u32 v48, $0x7  }
0x3e: {  	v14 =	vshll.u32 v14, v4  }
0x3f: {  	v49 =	vbroadcast v14, $0x0;
	[tilespmem:v10+s16+$0x0] =	vst.idx.msk $0xffff, v13  }
0x40: {  	v12 =	vld.idx.msk [tilespmem:v47+s15+$0x0], $0xffff  }
0x41: {  	s23 =	sadd.s32 $0x10, s22;
	v13 =	vor.u32 v1, v49  }
0x42: {  	v50 =	vmov s23  }
0x43: {  	v14 =	vshrl.u32 v50, $0x7  }
0x44: {  	v14 =	vshll.u32 v14, v4  }
0x45: {  	v51 =	vbroadcast v14, $0x0;
	[tilespmem:v11+s16+$0x0] =	vst.idx.msk $0xffff, v12  }
0x46: {  	v13 =	vld.idx.msk [tilespmem:v13+s15+$0x0], $0xffff  }
0x47: {  	s25 =	sadd.s32 $0x20, s22;
	v12 =	vor.u32 v5, v51  }
0x48: {  	v52 =	vmov s25  }
0x49: {  	v14 =	vshrl.u32 v52, $0x7  }
0x4a: {  	v14 =	vshll.u32 v14, v4  }
0x4b: {  	v53 =	vbroadcast v14, $0x0;
	[tilespmem:v1+s17+$0x0] =	vst.idx.msk $0xffff, v13  }
0x4c: {  	v12 =	vld.idx.msk [tilespmem:v12+s15+$0x0], $0xffff  }
0x4d: {  	s26 =	sadd.s32 $0x30, s22;
	v13 =	vor.u32 v6, v53  }
0x4e: {  	v54 =	vmov s26  }
0x4f: {  	v14 =	vshrl.u32 v54, $0x7  }
0x50: {  	v14 =	vshll.u32 v14, v4  }
0x51: {  	v55 =	vbroadcast v14, $0x0;
	[tilespmem:v5+s17+$0x0] =	vst.idx.msk $0xffff, v12  }
0x52: {  	v13 =	vld.idx.msk [tilespmem:v13+s15+$0x0], $0xffff  }
0x53: {  	s28 =	sadd.s32 $0x40, s22;
	v12 =	vor.u32 v7, v55  }
0x54: {  	v56 =	vmov s28  }
0x55: {  	v14 =	vshrl.u32 v56, $0x7  }
0x56: {  	v14 =	vshll.u32 v14, v4  }
0x57: {  	v57 =	vbroadcast v14, $0x0;
	[tilespmem:v6+s17+$0x0] =	vst.idx.msk $0xffff, v13  }
0x58: {  	v12 =	vld.idx.msk [tilespmem:v12+s15+$0x0], $0xffff  }
0x59: {  	s29 =	sadd.s32 $0x50, s22;
	v13 =	vor.u32 v8, v57  }
0x5a: {  	v58 =	vmov s29  }
0x5b: {  	v14 =	vshrl.u32 v58, $0x7  }
0x5c: {  	v14 =	vshll.u32 v14, v4  }
0x5d: {  	v59 =	vbroadcast v14, $0x0;
	[tilespmem:v7+s17+$0x0] =	vst.idx.msk $0xffff, v12  }
0x5e: {  	v13 =	vld.idx.msk [tilespmem:v13+s15+$0x0], $0xffff  }
0x5f: {  	s30 =	sadd.s32 $0x60, s22;
	v12 =	vor.u32 v9, v59  }
0x60: {  	v60 =	vmov s30  }
0x61: {  	v14 =	vshrl.u32 v60, $0x7  }
0x62: {  	v14 =	vshll.u32 v14, v4  }
0x63: {  	v61 =	vbroadcast v14, $0x0;
	[tilespmem:v8+s17+$0x0] =	vst.idx.msk $0xffff, v13  }
0x64: {  	v12 =	vld.idx.msk [tilespmem:v12+s15+$0x0], $0xffff  }
0x65: {  	s31 =	sadd.s32 $0x70, s22;
	v13 =	vor.u32 v10, v61  }
0x66: {  	v62 =	vmov s31  }
0x67: {  	v14 =	vshrl.u32 v62, $0x7  }
0x68: {  	v14 =	vshll.u32 v14, v4  }
0x69: {  	v63 =	vbroadcast v14, $0x0;
	[tilespmem:v9+s17+$0x0] =	vst.idx.msk $0xffff, v12  }
0x6a: {  	v13 =	vld.idx.msk [tilespmem:v13+s15+$0x0], $0xffff  }
0x6b: {  	v12 =	vor.u32 v11, v63;
	_ =	sdelay $0x3  }
0x6c: {  	[tilespmem:v10+s17+$0x0] =	vst.idx.msk $0xffff, v13  }
0x6d: {  	v12 =	vld.idx.msk [tilespmem:v12+s15+$0x0], $0xffff;
	_ =	sdelay $0x4  }
0x6e: {  	[tilespmem:v11+s17+$0x0] =	vst.idx.msk $0xffff, v12  }
0x6f: {  	[spmem:s3] =	stream.indirect.scatter.add.f32 [tilespmem:s10], [sflag:$0x1], $0x80, s16, s18, $0xb8;
	[tilespmem:$0x12A00] =	vst v63  }
0x70: {  	_ =	swait.ge [sflag:s11], $0x4000  }
0x71: {  	[sflag:s11] =	ssyncset.done $0x0  }
0x72: {  	[sflag:s11] =	ssyncadd.s32 $0xFFFFC000  }
0x73: {  	[spmem:s3] =	stream.indirect.scatter.add.f32 [tilespmem:s12], [sflag:$0x1], $0x80, s17, s18, $0xb8;
	[tilespmem:$0x12A00] =	vst v63  }
0x74: {  	_ =	swait.ge [sflag:s11], $0x4000  }
0x75: {  	[sflag:s11] =	ssyncset.done $0x0  }
0x76: {  	[sflag:s11] =	ssyncadd.s32 $0xFFFFC000  }
.LBB2_9:
0x77: {  	s21 =	sadd.s32 $0x1, s21  }
0x78: {  	p0 =	sne.s32 s21, $0xB  }
.Ltmp3:
0x79: {  	_ = 	snop;
	(pc) =	sbr.rel @!p0 .LBB2_10-.Ltmp3, $1  }
0x7a: {  	_ =	sdelay $0x3  }
.LBB2_2:
0x7b: {  	s22 =	sshll.u32 s21, $0x9  }
0x7c: {  	s22 =	sadd.s32 s4, s22  }
0x7d: {  	s23 =	sshrl.u32 s22, $0x3;
	s22 =	simm.s32 $0x0  }
0x7e: {  	s23 =	sadd.s32 s1, s23;
	v12 =	vor.u32 s22, v1  }
0x7f: {  	[tilespmem:s22], [sflag:$0x1] =	stream.linear.gather [hbm4b:s23+s22], $0x200, $0x38;
	[tilespmem:$0x12A00] =	vst v63  }
0x80: {  	_ =	swait.ge [sflag:s11], $0x200  }
0x81: {  	[sflag:s11] =	ssyncset.done $0x0  }
0x82: {  	[sflag:s11] =	ssyncadd.s32 $0xFFFFFE00  }
0x83: {  	v12 =	vld.idx.msk [tilespmem:v12+s5+$0x0], $0xffff;
	_ =	sdelay $0x4  }
0x84: {  	v12 =	vsub.s32 v12, v0  }
0x85: {  	vm0 =	vlt.u32 v12, $0x1400  }
0x86: {  	v13 =	vmpcnt.ones.xlane vm0  }
0x87: {  	v14 =	vsel vm0, $0x1, v2  }
0x88: {  	(xrf0) =	vadd.scan.msk.s32 $0xffff, v14;
	v13 =	vxor.u32 $0x80000000, v13  }
0x89: {  	(xrf0) =	vmax.scan.msk.u32 $0xffff, v13;
	_ =	sdelay $0x1  }
0x8a: {  	v13 =	vmov s22  }
0x8b: {  	v13 =	vadd.s32 $0xFFFFFFFF, v13  }
0x8c: {  	v13 =	vbroadcast v13, $0x0  }
0x8d: {  	v14, _, _ =	vpop (xrf0)  }
0x8e: {  	s31 =	simm.s32 $0x10;
	v13 =	vadd.s32 v14, v13;
	v15, _, _ =	vpop (xrf0)  }
0x8f: {  	s23 =	simm.s32 $0x20;
	v14 =	vor.u32 s31, v1;
	(v2sf) =	vpush v15, $0xF  }
.LBB2_3:
0x90: {  	p0 =	sne.s32 s23, $0x1F0;
	_ =	sdelay $0x2  }
0x91: {  	[tilespmem:v13+s15+$0x0] =	vst.idx.msk vm0, v12  }
0x92: {  	v12 =	vld.idx.msk [tilespmem:v14+s5+$0x0], $0xffff;
	_ =	sdelay $0x5  }
0x93: {  	v12 =	vsub.s32 v12, v0  }
0x94: {  	vm0 =	vlt.u32 v12, $0x1400  }
0x95: {  	v13 =	vsel vm0, $0x1, v2;
	v14 =	vmpcnt.ones.xlane vm0;
	_ =	sdelay $0x1  }
0x96: {  	v14 =	vxor.u32 $0x80000000, v14;
	(xrf0) =	vadd.scan.msk.s32 $0xffff, v13;
	s24 =	spop (v2sf)  }
0x97: {  	(xrf0) =	vmax.scan.msk.u32 $0xffff, v14;
	s22 =	sadd.s32 s24, s22  }
0x98: {  	s22 =	sadd.s32 $0x80000000, s22  }
0x99: {  	v13 =	vmov s22  }
.Ltmp4:
0x9a: {  	v13 =	vadd.s32 $0xFFFFFFFF, v13;
	(pc) =	sbr.rel @p0 .LBB2_3-.Ltmp4, $4  }
0x9b: {  	v13 =	vbroadcast v13, $0x0  }
0x9c: {  	v14, _, _ =	vpop (xrf0)  }
0x9d: {  	v13 =	vadd.s32 v14, v13;
	v15, _, _ =	vpop (xrf0)  }
0x9e: {  	v14 =	vor.u32 s23, v1;
	s23 =	sadd.s32 $0x10, s23;
	(v2sf) =	vpush v15, $0xF  }
0x9f: {  	_ =	sdelay $0x4  }
0xa0: {  	[tilespmem:v13+s15+$0x0] =	vst.idx.msk vm0, v12  }
0xa1: {  	v12 =	vld.idx.msk [tilespmem:v14+s5+$0x0], $0xffff;
	_ =	sdelay $0x4  }
0xa2: {  	v12 =	vsub.s32 v12, v0  }
0xa3: {  	vm15 =	vlt.u32 v12, $0x1400  }
0xa4: {  	v46 =	vmpcnt.ones.xlane vm15  }
0xa5: {  	v47 =	vsel vm15, $0x1, v2  }
0xa6: {  	(xrf0) =	vadd.scan.msk.s32 $0xffff, v47;
	v13 =	vxor.u32 $0x80000000, v46  }
0xa7: {  	(xrf0) =	vmax.scan.msk.u32 $0xffff, v13;
	_ =	sdelay $0x4  }
0xa8: {  	v48, _, _ =	vpop (xrf0)  }
0xa9: {  	v49, _, _ =	vpop (xrf0)  }
0xaa: {  	(v2sf) =	vpush v49, $0xF;
	_ =	sdelay $0x9  }
0xab: {  	s23 =	spop (v2sf)  }
0xac: {  	s22 =	sadd.s32 s23, s22  }
0xad: {  	s22 =	sadd.s32 $0x80000000, s22  }
0xae: {  	v50 =	vmov s22  }
0xaf: {  	v14 =	vadd.s32 $0xFFFFFFFF, v50  }
0xb0: {  	v14 =	vbroadcast v14, $0x0;
	s31 =	spop (v2sf)  }
0xb1: {  	s22 =	sadd.s32 s31, s22  }
0xb2: {  	v13 =	vadd.s32 v48, v14;
	s22 =	sadd.s32 $0x80000000, s22  }
0xb3: {  	v51 =	vadd.s32 s22, v1;
	s24 =	sadd.s32 $0x10, s22;
	s25 =	sadd.s32 $0x20, s22  }
0xb4: {  	s26 =	sadd.s32 $0x30, s22;
	s28 =	sadd.s32 $0x40, s22;
	v15 =	vadd.s32 s24, v1;
	v16 =	vadd.s32 s25, v1;
	s25 =	sadd.s32 $0x7F, s22  }
0xb5: {  	s29 =	sadd.s32 $0x50, s22;
	v52 =	vadd.s32 s28, v1;
	s24 =	sadd.s32 $0x70, s22;
	s28 =	sand.u32 $0x7F, s25  }
0xb6: {  	v17 =	vadd.s32 s26, v1;
	v53 =	vadd.s32 s29, v1;
	s29 =	sshra.s32 s25, $0x1F;
	p1 =	slt.s32 s25, $0x1;
	p0 =	sne.s32 s28, $0x0  }
0xb7: {  	[tilespmem:v13+s15+$0x0] =	vst.idx.msk vm15, v12;
	s30 =	sadd.s32 $0x60, s22;
	v55 =	vadd.s32 s24, v1;
	s24 =	sshrl.u32 s29, $0x19;
	p0 =	por !p1, !p0  }
0xb8: {  	s24 =	sadd.s32 s24, s25;
	s25 =	simm.s32 $0x1;
	[tilespmem:v51+s15+$0x0] =	vst.idx.msk $0xffff, v3;
	p0 =	por !p0, !p0  }
0xb9: {  	v54 =	vadd.s32 s30, v1;
	s24 =	sshra.s32 s24, $0x7;
	[tilespmem:v15+s15+$0x0] =	vst.idx.msk $0xffff, v3;
	s25 =	simm.s32 @!p0 $0x0  }
0xba: {  	s31 =	sadd.s32 $0x80, s22;
	s26 =	sadd.s32 $0x90, s22;
	[tilespmem:v16+s15+$0x0] =	vst.idx.msk $0xffff, v3;
	s24 =	ssub.s32 s24, s25  }
0xbb: {  	v56 =	vadd.s32 s31, v1;
	s30 =	sadd.s32 $0xA0, s22;
	s31 =	sadd.s32 $0xB0, s22;
	[tilespmem:v17+s15+$0x0] =	vst.idx.msk $0xffff, v3;
	s25 =	sadd.s32 $0x1, s24  }
0xbc: {  	v57 =	vadd.s32 s26, v1;
	v58 =	vadd.s32 s30, v1;
	s26 =	sadd.s32 $0xC0, s22;
	s28 =	sadd.s32 $0xD0, s22;
	[tilespmem:v52+s15+$0x0] =	vst.idx.msk $0xffff, v3;
	s30 =	sand.u32 $0x1, s25  }
0xbd: {  	s29 =	sadd.s32 $0xE0, s22;
	p5 =	slt.s32 s24, $0x0;
	[tilespmem:v53+s15+$0x0] =	vst.idx.msk $0xffff, v3;
	p6 =	seq.s32 s30, $0x1  }
0xbe: {  	v59 =	vadd.s32 s31, v1;
	s22 =	sadd.s32 $0xF0, s22;
	s31 =	sshrl.u32 s25, $0x1F;
	[tilespmem:v54+s15+$0x0] =	vst.idx.msk $0xffff, v3;
	p0 =	por !p5, !p6  }
0xbf: {  	s23 =	simm.s32 $0x1;
	v60 =	vadd.s32 s26, v1;
	v63 =	vadd.s32 s22, v1;
	s22 =	sadd.s32 s31, s25;
	[tilespmem:v55+s15+$0x0] =	vst.idx.msk $0xffff, v3;
	p0 =	por !p0, !p0  }
0xc0: {  	v61 =	vadd.s32 s28, v1;
	s22 =	sshra.s32 s22, $0x1;
	[tilespmem:v56+s15+$0x0] =	vst.idx.msk $0xffff, v3;
	s23 =	simm.s32 @!p0 $0x0  }
0xc1: {  	v62 =	vadd.s32 s29, v1;
	[tilespmem:v57+s15+$0x0] =	vst.idx.msk $0xffff, v3;
	s23 =	ssub.s32 s22, s23  }
0xc2: {  	[tilespmem:v58+s15+$0x0] =	vst.idx.msk $0xffff, v3;
	p0 =	slt.s32 s23, $0x1  }
.Ltmp5:
0xc3: {  	[tilespmem:v59+s15+$0x0] =	vst.idx.msk $0xffff, v3;
	(pc) =	sbr.rel @p0 .LBB2_9-.Ltmp5, $4  }
0xc4: {  	[tilespmem:v60+s15+$0x0] =	vst.idx.msk $0xffff, v3  }
0xc5: {  	[tilespmem:v61+s15+$0x0] =	vst.idx.msk $0xffff, v3  }
0xc6: {  	[tilespmem:v62+s15+$0x0] =	vst.idx.msk $0xffff, v3  }
0xc7: {  	s22 =	simm.s32 $0x80;
	[tilespmem:v63+s15+$0x0] =	vst.idx.msk $0xffff, v3  }
0xc8: {  	s24 =	sadd.s32 $0xFFFFFF80, s22  }
0xc9: {  	p1 =	sne.s32 s23, $0x1;
	v12 =	vmov s24  }
.Ltmp6:
0xca: {  	v12 =	vshrl.u32 v12, $0x7;
	(pc) =	sbr.rel @!p1 .LBB2_8-.Ltmp6, $3  }
0xcb: {  	v12 =	vshll.u32 v12, v4  }
0xcc: {  	v12 =	vbroadcast v12, $0x0;
	_ =	sdelay $0x1  }
0xcd: {  	s23 =	sadd.s32 $0xFFFFFFFF, s23;
	p0 =	por $0x0, $0x0;
	v13 =	vor.u32 v1, v12  }
0xce: {  	_ =	sdelay $0x3  }
0xcf: {  	v13 =	vld.idx.msk [tilespmem:v13+s15+$0x0], $0xffff  }
0xd0: {  	v14 =	vor.u32 v5, v12;
	_ =	sdelay $0x3  }
0xd1: {  	[tilespmem:v1+s16+$0x0] =	vst.idx.msk $0xffff, v13  }
0xd2: {  	v13 =	vld.idx.msk [tilespmem:v14+s15+$0x0], $0xffff  }
0xd3: {  	v14 =	vor.u32 v6, v12;
	_ =	sdelay $0x3  }
0xd4: {  	[tilespmem:v5+s16+$0x0] =	vst.idx.msk $0xffff, v13  }
0xd5: {  	v13 =	vld.idx.msk [tilespmem:v14+s15+$0x0], $0xffff  }
0xd6: {  	v14 =	vor.u32 v7, v12;
	_ =	sdelay $0x3  }
0xd7: {  	[tilespmem:v6+s16+$0x0] =	vst.idx.msk $0xffff, v13  }
0xd8: {  	v13 =	vld.idx.msk [tilespmem:v14+s15+$0x0], $0xffff  }
0xd9: {  	v14 =	vor.u32 v8, v12;
	_ =	sdelay $0x3  }
0xda: {  	[tilespmem:v7+s16+$0x0] =	vst.idx.msk $0xffff, v13  }
0xdb: {  	v13 =	vld.idx.msk [tilespmem:v14+s15+$0x0], $0xffff  }
0xdc: {  	v14 =	vor.u32 v9, v12;
	_ =	sdelay $0x3  }
0xdd: {  	[tilespmem:v8+s16+$0x0] =	vst.idx.msk $0xffff, v13  }
0xde: {  	v13 =	vld.idx.msk [tilespmem:v14+s15+$0x0], $0xffff  }
0xdf: {  	v14 =	vor.u32 v10, v12;
	_ =	sdelay $0x3  }
0xe0: {  	[tilespmem:v9+s16+$0x0] =	vst.idx.msk $0xffff, v13  }
0xe1: {  	v13 =	vld.idx.msk [tilespmem:v14+s15+$0x0], $0xffff  }
0xe2: {  	v12 =	vor.u32 v11, v12  }
0xe3: {  	v14 =	vmov s22  }
0xe4: {  	v14 =	vshrl.u32 v14, $0x7  }
0xe5: {  	v14 =	vshll.u32 v14, v4  }
0xe6: {  	[tilespmem:v10+s16+$0x0] =	vst.idx.msk $0xffff, v13;
	v13 =	vbroadcast v14, $0x0  }
0xe7: {  	v12 =	vld.idx.msk [tilespmem:v12+s15+$0x0], $0xffff  }
0xe8: {  	s24 =	sadd.s32 $0x10, s22;
	v13 =	vor.u32 v1, v13  }
0xe9: {  	v14 =	vmov s24  }
0xea: {  	v14 =	vshrl.u32 v14, $0x7  }
0xeb: {  	v14 =	vshll.u32 v14, v4  }
0xec: {  	[tilespmem:v11+s16+$0x0] =	vst.idx.msk $0xffff, v12;
	v12 =	vbroadcast v14, $0x0  }
0xed: {  	v13 =	vld.idx.msk [tilespmem:v13+s15+$0x0], $0xffff  }
0xee: {  	s31 =	sadd.s32 $0x20, s22;
	v12 =	vor.u32 v5, v12  }
0xef: {  	v14 =	vmov s31  }
0xf0: {  	v14 =	vshrl.u32 v14, $0x7  }
0xf1: {  	v14 =	vshll.u32 v14, v4  }
0xf2: {  	[tilespmem:v1+s17+$0x0] =	vst.idx.msk $0xffff, v13;
	v13 =	vbroadcast v14, $0x0  }
0xf3: {  	v12 =	vld.idx.msk [tilespmem:v12+s15+$0x0], $0xffff  }
0xf4: {  	s25 =	sadd.s32 $0x30, s22;
	v13 =	vor.u32 v6, v13  }
0xf5: {  	v14 =	vmov s25  }
0xf6: {  	v14 =	vshrl.u32 v14, $0x7  }
0xf7: {  	v14 =	vshll.u32 v14, v4  }
0xf8: {  	[tilespmem:v5+s17+$0x0] =	vst.idx.msk $0xffff, v12;
	v12 =	vbroadcast v14, $0x0  }
0xf9: {  	v13 =	vld.idx.msk [tilespmem:v13+s15+$0x0], $0xffff  }
0xfa: {  	s26 =	sadd.s32 $0x40, s22;
	v12 =	vor.u32 v7, v12  }
0xfb: {  	v14 =	vmov s26  }
0xfc: {  	v14 =	vshrl.u32 v14, $0x7  }
0xfd: {  	v14 =	vshll.u32 v14, v4  }
0xfe: {  	[tilespmem:v6+s17+$0x0] =	vst.idx.msk $0xffff, v13;
	v13 =	vbroadcast v14, $0x0  }
0xff: {  	v12 =	vld.idx.msk [tilespmem:v12+s15+$0x0], $0xffff  }
0x100: {  	s28 =	sadd.s32 $0x50, s22;
	v13 =	vor.u32 v8, v13  }
0x101: {  	v14 =	vmov s28  }
0x102: {  	v14 =	vshrl.u32 v14, $0x7  }
0x103: {  	v14 =	vshll.u32 v14, v4  }
0x104: {  	[tilespmem:v7+s17+$0x0] =	vst.idx.msk $0xffff, v12;
	v12 =	vbroadcast v14, $0x0  }
0x105: {  	v13 =	vld.idx.msk [tilespmem:v13+s15+$0x0], $0xffff  }
0x106: {  	s29 =	sadd.s32 $0x60, s22;
	v12 =	vor.u32 v9, v12  }
0x107: {  	v14 =	vmov s29  }
0x108: {  	v14 =	vshrl.u32 v14, $0x7  }
0x109: {  	v14 =	vshll.u32 v14, v4  }
0x10a: {  	[tilespmem:v8+s17+$0x0] =	vst.idx.msk $0xffff, v13;
	v13 =	vbroadcast v14, $0x0  }
0x10b: {  	v12 =	vld.idx.msk [tilespmem:v12+s15+$0x0], $0xffff  }
0x10c: {  	s30 =	sadd.s32 $0x70, s22;
	v13 =	vor.u32 v10, v13  }
0x10d: {  	v14 =	vmov s30  }
0x10e: {  	v14 =	vshrl.u32 v14, $0x7  }
0x10f: {  	v14 =	vshll.u32 v14, v4  }
0x110: {  	[tilespmem:v9+s17+$0x0] =	vst.idx.msk $0xffff, v12;
	v12 =	vbroadcast v14, $0x0  }
0x111: {  	v13 =	vld.idx.msk [tilespmem:v13+s15+$0x0], $0xffff  }
0x112: {  	v12 =	vor.u32 v11, v12;
	_ =	sdelay $0x3  }
0x113: {  	[tilespmem:v10+s17+$0x0] =	vst.idx.msk $0xffff, v13  }
0x114: {  	v12 =	vld.idx.msk [tilespmem:v12+s15+$0x0], $0xffff;
	_ =	sdelay $0x2  }
0x115: {  	s22 =	sadd.s32 $0x100, s22  }
0x116: {  	s31 =	sadd.s32 $0xFFFFFF80, s22  }
0x117: {  	[tilespmem:v11+s17+$0x0] =	vst.idx.msk $0xffff, v12;
	v12 =	vmov s31  }
0x118: {  	v12 =	vshrl.u32 v12, $0x7  }
0x119: {  	[spmem:s3] =	stream.indirect.scatter.add.f32 [tilespmem:s10], [sflag:$0x1], $0x80, s16, s18, $0xb8;
	v12 =	vshll.u32 v12, v4;
	[tilespmem:$0x12A00] =	vst v63  }
0x11a: {  	p1 =	sne.s32 s23, $0x1;
	_ =	swait.ge [sflag:s11], $0x4000;
	v12 =	vbroadcast v12, $0x0  }
.Ltmp7:
0x11b: {  	[sflag:s11] =	ssyncset.done $0x0;
	(pc) =	sbr.rel @!p1 .LBB2_8-.Ltmp7, $4  }
0x11c: {  	[sflag:s11] =	ssyncadd.s32 $0xFFFFC000;
	v13 =	vor.u32 v1, v12  }
0x11d: {  	[spmem:s3] =	stream.indirect.scatter.add.f32 [tilespmem:s12], [sflag:$0x1], $0x80, s17, s18, $0xb8;
	[tilespmem:$0x12A00] =	vst v63  }
0x11e: {  	_ =	swait.ge [sflag:s11], $0x4000  }
0x11f: {  	s23 =	sadd.s32 $0xFFFFFFFF, s23;
	p0 =	por $0x1, $0x1;
	[sflag:s11] =	ssyncset.done $0x0  }
.LBB2_7:
0x120: {  	p1 =	sne.s32 s23, $0x1;
	s23 =	sadd.s32 $0xFFFFFFFF, s23;
	[sflag:s11] =	ssyncadd.s32 $0xFFFFC000  }
0x121: {  	v13 =	vld.idx.msk [tilespmem:v13+s15+$0x0], $0xffff;
	_ =	sdelay $0x1  }
0x122: {  	v14 =	vor.u32 v5, v12;
	_ =	sdelay $0x3  }
0x123: {  	[tilespmem:v1+s16+$0x0] =	vst.idx.msk $0xffff, v13  }
0x124: {  	v13 =	vld.idx.msk [tilespmem:v14+s15+$0x0], $0xffff;
	_ =	sdelay $0x1  }
0x125: {  	v14 =	vor.u32 v6, v12;
	_ =	sdelay $0x3  }
0x126: {  	[tilespmem:v5+s16+$0x0] =	vst.idx.msk $0xffff, v13  }
0x127: {  	v13 =	vld.idx.msk [tilespmem:v14+s15+$0x0], $0xffff;
	_ =	sdelay $0x1  }
0x128: {  	v14 =	vor.u32 v7, v12;
	_ =	sdelay $0x3  }
0x129: {  	[tilespmem:v6+s16+$0x0] =	vst.idx.msk $0xffff, v13  }
0x12a: {  	v13 =	vld.idx.msk [tilespmem:v14+s15+$0x0], $0xffff;
	_ =	sdelay $0x1  }
0x12b: {  	v14 =	vor.u32 v8, v12;
	_ =	sdelay $0x3  }
0x12c: {  	[tilespmem:v7+s16+$0x0] =	vst.idx.msk $0xffff, v13  }
0x12d: {  	v13 =	vld.idx.msk [tilespmem:v14+s15+$0x0], $0xffff;
	_ =	sdelay $0x1  }
0x12e: {  	v14 =	vor.u32 v9, v12;
	_ =	sdelay $0x3  }
0x12f: {  	[tilespmem:v8+s16+$0x0] =	vst.idx.msk $0xffff, v13  }
0x130: {  	v13 =	vld.idx.msk [tilespmem:v14+s15+$0x0], $0xffff;
	_ =	sdelay $0x1  }
0x131: {  	v14 =	vor.u32 v10, v12;
	_ =	sdelay $0x3  }
0x132: {  	[tilespmem:v9+s16+$0x0] =	vst.idx.msk $0xffff, v13  }
0x133: {  	v13 =	vld.idx.msk [tilespmem:v14+s15+$0x0], $0xffff;
	_ =	sdelay $0x1  }
0x134: {  	v12 =	vor.u32 v11, v12;
	_ =	sdelay $0x1  }
0x135: {  	v14 =	vmov s22  }
0x136: {  	v14 =	vshrl.u32 v14, $0x7  }
0x137: {  	[tilespmem:v10+s16+$0x0] =	vst.idx.msk $0xffff, v13;
	v13 =	vshll.u32 v14, v4  }
0x138: {  	v12 =	vld.idx.msk [tilespmem:v12+s15+$0x0], $0xffff;
	v13 =	vbroadcast v13, $0x0;
	_ =	sdelay $0x1  }
0x139: {  	v13 =	vor.u32 v1, v13  }
0x13a: {  	s24 =	sadd.s32 $0x10, s22  }
0x13b: {  	v14 =	vmov s24  }
0x13c: {  	v14 =	vshrl.u32 v14, $0x7  }
0x13d: {  	[tilespmem:v11+s16+$0x0] =	vst.idx.msk $0xffff, v12;
	v12 =	vshll.u32 v14, v4  }
0x13e: {  	v13 =	vld.idx.msk [tilespmem:v13+s15+$0x0], $0xffff;
	v12 =	vbroadcast v12, $0x0;
	_ =	sdelay $0x1  }
0x13f: {  	v12 =	vor.u32 v5, v12  }
0x140: {  	s24 =	sadd.s32 $0x20, s22  }
0x141: {  	v14 =	vmov s24  }
0x142: {  	v14 =	vshrl.u32 v14, $0x7  }
0x143: {  	[tilespmem:v1+s17+$0x0] =	vst.idx.msk $0xffff, v13;
	v13 =	vshll.u32 v14, v4  }
0x144: {  	v12 =	vld.idx.msk [tilespmem:v12+s15+$0x0], $0xffff;
	v13 =	vbroadcast v13, $0x0;
	_ =	sdelay $0x1  }
0x145: {  	v13 =	vor.u32 v6, v13  }
0x146: {  	s24 =	sadd.s32 $0x30, s22  }
0x147: {  	v14 =	vmov s24  }
0x148: {  	v14 =	vshrl.u32 v14, $0x7  }
0x149: {  	[tilespmem:v5+s17+$0x0] =	vst.idx.msk $0xffff, v12;
	v12 =	vshll.u32 v14, v4  }
0x14a: {  	v13 =	vld.idx.msk [tilespmem:v13+s15+$0x0], $0xffff;
	v12 =	vbroadcast v12, $0x0;
	_ =	sdelay $0x1  }
0x14b: {  	v12 =	vor.u32 v7, v12  }
0x14c: {  	s24 =	sadd.s32 $0x40, s22  }
0x14d: {  	v14 =	vmov s24  }
0x14e: {  	v14 =	vshrl.u32 v14, $0x7  }
0x14f: {  	[tilespmem:v6+s17+$0x0] =	vst.idx.msk $0xffff, v13;
	v13 =	vshll.u32 v14, v4  }
0x150: {  	v12 =	vld.idx.msk [tilespmem:v12+s15+$0x0], $0xffff;
	v13 =	vbroadcast v13, $0x0;
	_ =	sdelay $0x1  }
0x151: {  	v13 =	vor.u32 v8, v13  }
0x152: {  	s24 =	sadd.s32 $0x50, s22  }
0x153: {  	v14 =	vmov s24  }
0x154: {  	v14 =	vshrl.u32 v14, $0x7  }
0x155: {  	[tilespmem:v7+s17+$0x0] =	vst.idx.msk $0xffff, v12;
	v12 =	vshll.u32 v14, v4  }
0x156: {  	v13 =	vld.idx.msk [tilespmem:v13+s15+$0x0], $0xffff;
	v12 =	vbroadcast v12, $0x0;
	_ =	sdelay $0x1  }
0x157: {  	v12 =	vor.u32 v9, v12  }
0x158: {  	s24 =	sadd.s32 $0x60, s22  }
0x159: {  	v14 =	vmov s24  }
0x15a: {  	v14 =	vshrl.u32 v14, $0x7  }
0x15b: {  	[tilespmem:v8+s17+$0x0] =	vst.idx.msk $0xffff, v13;
	v13 =	vshll.u32 v14, v4  }
0x15c: {  	v12 =	vld.idx.msk [tilespmem:v12+s15+$0x0], $0xffff;
	v13 =	vbroadcast v13, $0x0;
	_ =	sdelay $0x1  }
0x15d: {  	v13 =	vor.u32 v10, v13  }
0x15e: {  	s24 =	sadd.s32 $0x70, s22  }
0x15f: {  	v14 =	vmov s24  }
0x160: {  	v14 =	vshrl.u32 v14, $0x7  }
0x161: {  	[tilespmem:v9+s17+$0x0] =	vst.idx.msk $0xffff, v12;
	v12 =	vshll.u32 v14, v4  }
0x162: {  	v13 =	vld.idx.msk [tilespmem:v13+s15+$0x0], $0xffff;
	v12 =	vbroadcast v12, $0x0;
	_ =	sdelay $0x1  }
0x163: {  	v12 =	vor.u32 v11, v12;
	_ =	sdelay $0x3  }
0x164: {  	[tilespmem:v10+s17+$0x0] =	vst.idx.msk $0xffff, v13  }
0x165: {  	v12 =	vld.idx.msk [tilespmem:v12+s15+$0x0], $0xffff;
	_ =	sdelay $0x2  }
0x166: {  	s22 =	sadd.s32 $0x100, s22  }
0x167: {  	s24 =	sadd.s32 $0xFFFFFF80, s22  }
0x168: {  	v13 =	vmov s24  }
0x169: {  	v13 =	vshrl.u32 v13, $0x7;
	[tilespmem:v11+s17+$0x0] =	vst.idx.msk $0xffff, v12  }
0x16a: {  	v12 =	vshll.u32 v13, v4;
	[spmem:s3] =	stream.indirect.scatter.add.f32 [tilespmem:s10], [sflag:$0x1], $0x80, s16, s18, $0xb8;
	[tilespmem:$0x12A00] =	vst v63  }
0x16b: {  	v12 =	vbroadcast v12, $0x0;
	_ =	swait.ge [sflag:s11], $0x4000  }
.Ltmp8:
0x16c: {  	[sflag:s11] =	ssyncset.done $0x0;
	(pc) =	sbr.rel @p1 .LBB2_7-.Ltmp8, $4  }
0x16d: {  	v13 =	vor.u32 v1, v12;
	[sflag:s11] =	ssyncadd.s32 $0xFFFFC000  }
0x16e: {  	[spmem:s3] =	stream.indirect.scatter.add.f32 [tilespmem:s12], [sflag:$0x1], $0x80, s17, s18, $0xb8;
	[tilespmem:$0x12A00] =	vst v63  }
0x16f: {  	_ =	swait.ge [sflag:s11], $0x4000  }
0x170: {  	[sflag:s11] =	ssyncset.done $0x0  }
.Ltmp9:
0x171: {  	_ = 	snop;
	(pc) =	sbr.rel .LBB2_8-.Ltmp9, $1  }
0x172: {  	_ =	sdelay $0x3  }
.LBB2_11:
0x173: {  	_ =	sfence.sel $0x180000  }
0x174: {  	[bflag:$0x0] =	sbarrier.arrive $0xFFFF  }
0x175: {  	p0 =	sne.s32 s0, $0x0;
	_ =	strace $0x90000047  }
0x176: {  	s0 =	sadd.s32 @!p0 $0x100000, s2;
	[bflag:$0x2] =	sbarrier.arrive $0xFFFF  }
0x177: {  	[sflag:s0] =	ssyncadd.tile.s32 @!p0 $0x1;
	_ =	shalt  }
.Lfunc_end2:
_tile_overlayer_lowered:
.L_overlay_start_2:
0x178: {  	(tag) =	ssettag $0x2  }
0x179: {  	s0 =	rddreg [dreg:$0x0];
	s2 =	stileid.u32  }
0x17a: {  	s1 =	rddreg [dreg:$0x1];
	p0 =	sne.s32 s2, $0x0  }
0x17b: {  	s3 =	rddreg [dreg:$0x2];
	[bflag:$0x3] =	sbarrier.arrive $0xFFFF;
	s2 =	simm.s32 @!p0 $0x1C01  }
0x17c: {  	[timem:s3], [sflag:s2] =	dma.local @!p0 [hbm:s0], s1  }
0x17d: {  	s0 =	simm.s32 @!p0 $0x1  }
0x17e: {  	_ =	swait.ge @!p0 [sflag:s0], s1  }
0x17f: {  	s1 =	ssub.s32 @!p0 $0x0, s1;
	[sflag:s0] =	ssyncset.done @!p0 $0x0  }
0x180: {  	[sflag:s0] =	ssyncadd.s32 @!p0 s1  }
0x181: {  	[bflag:$0x3] =	sbarrier.arrive $0xFFFF  }
0x182: {  	_ =	shalt  }

</sc_bundles>
